<compile_context>
chip_gen: v7x
topology: tpu7x:2x2x1
jax: 0.10.2.dev20260603
libtpu: 0.0.44.dev20260713+nightly
codegen_flags: <defaults>
</compile_context>

<pallas_src>
import jax
import jax.numpy as jnp
from jax import lax
from jax.experimental import pallas as pl
from jax.experimental.pallas import tpu as pltpu
from jax.experimental.pallas import tpu_sc as plsc

N = 10000
E = 160000
F = 16
NC = 2
NS = 16
NW = NC * NS
EW = E // NW
KCH = 125
NCHUNK = EW // KCH
RPT = N // NS


def _sc_mesh():
    return plsc.VectorSubcoreMesh(core_axis_name="c", subcore_axis_name="s",
                                  num_cores=NC, num_subcores=NS)


def _gather_h_src(h, src_idx):

    def body(h_hbm, idx_hbm, out_hbm, idx_v, rows_v, sem):
        cid = lax.axis_index("c")
        sid = lax.axis_index("s")
        wid = sid * NC + cid
        pltpu.sync_copy(idx_hbm.at[wid], idx_v)

        def fire(j, carry):
            pltpu.async_copy(h_hbm.at[idx_v.at[j]],
                             rows_v.at[pl.ds(j * KCH, KCH)], sem)
            return carry

        lax.fori_loop(0, NCHUNK, fire, 0)

        def drain(j, carry):
            pltpu.make_async_copy(h_hbm.at[idx_v.at[j]],
                                  rows_v.at[pl.ds(j * KCH, KCH)], sem).wait()
            return carry

        lax.fori_loop(0, NCHUNK, drain, 0)
        pltpu.sync_copy(rows_v, out_hbm.at[pl.ds(wid * EW, EW)])

    return pl.kernel(
        body,
        out_type=jax.ShapeDtypeStruct((E, F), jnp.float32),
        mesh=_sc_mesh(),
        scratch_types=[
            pltpu.VMEM((NCHUNK, KCH), jnp.int32),
            pltpu.VMEM((EW, F), jnp.float32),
            pltpu.SemaphoreType.DMA,
        ],
        compiler_params=pltpu.CompilerParams(use_tc_tiling_on_sc=False),
    )(h, src_idx)


def _scatter_add(m, dst_idx):

    def body(m_hbm, idx_hbm, out_hbm, idx_v, mrows_v, zrows_v, acc_sh, sem):
        cid = lax.axis_index("c")
        sid = lax.axis_index("s")
        wid = sid * NC + cid

        def zrow(i, carry):
            zrows_v[i, :] = jnp.zeros((F,), jnp.float32)
            return carry

        lax.fori_loop(0, RPT, zrow, 0)
        pltpu.sync_copy(zrows_v, acc_sh.at[pl.ds(sid * RPT, RPT)])
        pltpu.sync_copy(idx_hbm.at[wid], idx_v)
        pltpu.async_copy(m_hbm.at[pl.ds(wid * EW, EW)], mrows_v, sem).wait()
        plsc.subcore_barrier()

        def scat(j, carry):
            pltpu.sync_copy(mrows_v.at[pl.ds(j * KCH, KCH)],
                            acc_sh.at[idx_v.at[j]], add=True)
            return carry

        lax.fori_loop(0, NCHUNK, scat, 0)
        plsc.subcore_barrier()
        pltpu.sync_copy(acc_sh.at[pl.ds(sid * RPT, RPT)],
                        out_hbm.at[cid, pl.ds(sid * RPT, RPT)])

    return pl.kernel(
        body,
        out_type=jax.ShapeDtypeStruct((NC, N, F), jnp.float32),
        mesh=_sc_mesh(),
        scratch_types=[
            pltpu.VMEM((NCHUNK, KCH), jnp.int32),
            pltpu.VMEM((EW, F), jnp.float32),
            pltpu.VMEM((RPT, F), jnp.float32),
            pltpu.VMEM_SHARED((N, F), jnp.float32),
            pltpu.SemaphoreType.DMA,
        ],
        compiler_params=pltpu.CompilerParams(use_tc_tiling_on_sc=False),
    )(m, dst_idx)


def _edge_messages_t(eT_arr, hsT_arr, WzT, BmT):
    TE = 16000
    FF = F * F

    def body(e_ref, hs_ref, wz_ref, bm_ref, o_ref):
        eT = e_ref[...].astype(jnp.bfloat16)
        hsT = hs_ref[...].astype(jnp.bfloat16)
        ebT = jnp.concatenate(
            [jnp.broadcast_to(eT[d:d + 1, :], (F, TE)) for d in range(F)],
            axis=0)
        hbT = jnp.concatenate([hsT] * F, axis=0)
        zT = ebT * hbT
        mT = jnp.dot(wz_ref[...].astype(jnp.bfloat16), zT,
                     preferred_element_type=jnp.float32)
        mT = mT + jnp.dot(bm_ref[...].astype(jnp.bfloat16), hsT,
                          preferred_element_type=jnp.float32)
        o_ref[...] = mT

    return pl.pallas_call(
        body,
        grid=(E // TE,),
        in_specs=[
            pl.BlockSpec((F, TE), lambda i: (0, i)),
            pl.BlockSpec((F, TE), lambda i: (0, i)),
            pl.BlockSpec((F, FF), lambda i: (0, 0)),
            pl.BlockSpec((F, F), lambda i: (0, 0)),
        ],
        out_specs=pl.BlockSpec((F, TE), lambda i: (0, i)),
        out_shape=jax.ShapeDtypeStruct((F, E), jnp.float32),
    )(eT_arr, hsT_arr, WzT, BmT)


def _finalize(h, root, bias_row, p0, p1):
    def body(h_ref, r_ref, b_ref, p0_ref, p1_ref, o_ref):
        o_ref[...] = (jnp.dot(h_ref[...], r_ref[...],
                              preferred_element_type=jnp.float32)
                      + b_ref[...] + p0_ref[...] + p1_ref[...])

    return pl.pallas_call(
        body,
        out_shape=jax.ShapeDtypeStruct((N, F), jnp.float32),
    )(h, root, bias_row, p0, p1)


def kernel(h, e, edge_index, W_edge, b_edge, root, bias):
    src = edge_index[0].reshape(NW, NCHUNK, KCH)
    dst = edge_index[1].reshape(NW, NCHUNK, KCH)
    h_src = _gather_h_src(h, src)
    WzT = jnp.transpose(W_edge.reshape(F * F, F))
    BmT = jnp.transpose(b_edge.reshape(F, F))
    mT = _edge_messages_t(jnp.transpose(e), jnp.transpose(h_src), WzT, BmT)
    m = jnp.transpose(mT)
    partials = _scatter_add(m, dst)
    return _finalize(h, root, bias.reshape(1, F), partials[0], partials[1])

# --- scband reference (transcript-rebuilt; emitter-appended) ---
"""Pipeline reference for scband-nnconv-layer-79817672229201 (READ-ONLY COPY).

The authoritative reference and input builder live on the scoring server;
editing this copy changes nothing except your own understanding.
"""

import jax, jax.numpy as jnp
import numpy as np

N = 10000
E = 160000
IN_CH = 16
OUT_CH = 16
D_EDGE = 16


def setup_inputs(seed: int = 0) -> dict:
    key = jax.random.key(seed)
    ks = jax.random.split(key, 7)
    h = jax.random.normal(ks[0], (N, IN_CH), dtype=jnp.float32)
    e = jax.random.normal(ks[1], (E, D_EDGE), dtype=jnp.float32)
    edge_index = jax.random.randint(ks[2], (2, E), 0, N, dtype=jnp.int32)
    # edge_net = nn.Linear(D_EDGE, IN_CH*OUT_CH), xavier_normal gain=1.414
    std_e = 1.414 * np.sqrt(2.0 / (D_EDGE + IN_CH * OUT_CH))
    W_edge = std_e * jax.random.normal(ks[3], (D_EDGE, IN_CH * OUT_CH), dtype=jnp.float32)
    b_edge = jnp.zeros((IN_CH * OUT_CH,), dtype=jnp.float32)
    # root weight, xavier_normal gain=1.414
    std_r = 1.414 * np.sqrt(2.0 / (IN_CH + OUT_CH))
    root = std_r * jax.random.normal(ks[4], (IN_CH, OUT_CH), dtype=jnp.float32)
    bias = jnp.zeros((OUT_CH,), dtype=jnp.float32)
    return {"h": h, "e": e, "edge_index": edge_index,
            "W_edge": W_edge, "b_edge": b_edge, "root": root, "bias": bias}


def reference(h, e, edge_index, W_edge, b_edge, root, bias):
    # edge_net: per-edge weight matrices [E, IN_CH, OUT_CH]
    w = (e @ W_edge + b_edge).reshape(-1, IN_CH, OUT_CH)
    src = edge_index[0]
    dst = edge_index[1]
    # message: h_src[e] (1 x IN) @ w[e] (IN x OUT) -> (OUT,)
    h_src = jnp.take(h, src, axis=0)
    m = jnp.einsum('ei,eio->eo', h_src, w)
    # reduce: sum over incoming edges (aggr='add')
    aggr_out = jnp.zeros((h.shape[0], OUT_CH), dtype=h.dtype).at[dst].add(m)
    # apply_node_func: root transform + bias
    out = h @ root + aggr_out + bias
    return out

if __name__ == "__main__":
    import jax
    _d = setup_inputs()
    print(jax.jit(kernel)(*tuple(_d.values())))

</pallas_src>

<mosaic_0001>
#map = affine_map<(d0, d1) -> (0, 0)>
#map1 = affine_map<(d0, d1) -> (0, 0, 0)>
module attributes {stable_mosaic.version = 14 : i64} {
  func.func @body(%arg0: i32, %arg1: i32, %arg2: memref<160000x16xf32, #tpu.memory_space<hbm>>, %arg3: memref<32x40x125xi32, #tpu.memory_space<hbm>>, %arg4: memref<2x10000x16xf32, #tpu.memory_space<hbm>>, %arg5: memref<40x125xi32, #tpu.memory_space<vmem>>, %arg6: memref<5000x16xf32, #tpu.memory_space<vmem>>, %arg7: memref<625x16xf32, #tpu.memory_space<vmem>>, %arg8: memref<10000x16xf32, #tpu.memory_space<vmem_shared>>, %arg9: memref<!tpu.dma_semaphore, #tpu.memory_space<semaphore_mem>>) attributes {dimension_semantics = [#tpu.dimension_semantics<core_parallel>, #tpu.dimension_semantics<subcore_parallel>], iteration_bounds = array<i64: 2, 16>, scalar_prefetch = 0 : i64, scratch_operands = 5 : i64, tpu.core_type = #tpu.core_type<sc_vector_subcore>, window_params = [{transform_indices = #map}, {transform_indices = #map1}, {transform_indices = #map1}]} {
    %mul3A = arith.constant 2 : i32
    %mul3A_0 = arith.muli %arg1, %mul3A : i32
    %add3A = arith.addi %mul3A_0, %arg0 : i32
    %scan3A = arith.constant 0 : i32
    %scan3A_1 = arith.constant 0 : i32
    %scan3A_2 = arith.constant 625 : i32
    %scan3A_3 = arith.addi %scan3A_1, %scan3A_2 : i32
    %scan3A_4 = arith.constant 1 : i32
    scf.for %scan3A_27 = %scan3A_1 to %scan3A_3 step %scan3A_4  : i32 {
      %broadcast_in_dim3A = arith.constant 0.000000e+00 : f32
      %broadcast_in_dim3A_28 = vector.broadcast %broadcast_in_dim3A : f32 to vector<16xf32>
      %swap3A = arith.index_cast %scan3A_27 : i32 to index
      %swap3A_29 = arith.constant 0 : index
      %swap3A_30 = tpu.vector_load %arg7[%swap3A, %swap3A_29] {strides = array<i32>} : memref<625x16xf32, #tpu.memory_space<vmem>>, vector<1x16xf32>,
      %swap3A_31 = vector.shape_cast %swap3A_30 : vector<1x16xf32> to vector<16xf32>
      %swap3A_32 = vector.shape_cast %broadcast_in_dim3A_28 : vector<16xf32> to vector<1x16xf32>
      tpu.vector_store %arg7[%swap3A, %swap3A_29], %swap3A_32 {strides = array<i32>} : memref<625x16xf32, #tpu.memory_space<vmem>>, vector<1x16xf32>,
    }
    %scan3A_5 = arith.constant 625 : i32
    %mul3A_6 = arith.constant 625 : i32
    %mul3A_7 = arith.muli %arg1, %mul3A_6 : i32
    "tpu.region"() ({
      %run_scoped3A = tpu.sem_alloc : memref<!tpu.dma_semaphore, #tpu.memory_space<semaphore_mem>>
      %dma_start3A_27 = arith.constant 0 : i32
      %dma_start3A_28 = tpu.memref_slice %arg8[%mul3A_7, %dma_start3A_27] : memref<10000x16xf32, #tpu.memory_space<vmem_shared>> -> memref<625x16xf32, #tpu.memory_space<vmem_shared>>
      %dma_start3A_29 = arith.constant 0 : i32
      %dma_start3A_30 = tpu.memref_slice %arg8[%mul3A_7, %dma_start3A_29] : memref<10000x16xf32, #tpu.memory_space<vmem_shared>> -> memref<625x16xf32, #tpu.memory_space<vmem_shared>>
      tpu.enqueue_dma source(%arg7 : memref<625x16xf32, #tpu.memory_space<vmem>>) target(%dma_start3A_30 : memref<625x16xf32, #tpu.memory_space<vmem_shared>>) target_semaphore(%run_scoped3A : memref<!tpu.dma_semaphore, #tpu.memory_space<semaphore_mem>>)
      %dma_wait3A_31 = arith.constant 0 : i32
      %dma_wait3A_32 = tpu.memref_slice %arg8[%mul3A_7, %dma_wait3A_31] : memref<10000x16xf32, #tpu.memory_space<vmem_shared>> -> memref<625x16xf32, #tpu.memory_space<vmem_shared>>
      %dma_wait3A_33 = arith.constant 0 : i32
      %dma_wait3A_34 = tpu.memref_slice %arg8[%mul3A_7, %dma_wait3A_33] : memref<10000x16xf32, #tpu.memory_space<vmem_shared>> -> memref<625x16xf32, #tpu.memory_space<vmem_shared>>
      tpu.wait_dma2 semaphore(%run_scoped3A : memref<!tpu.dma_semaphore, #tpu.memory_space<semaphore_mem>>) src(%arg7 : memref<625x16xf32, #tpu.memory_space<vmem>>) dst(%dma_wait3A_34 : memref<625x16xf32, #tpu.memory_space<vmem_shared>>)
      tpu.yield
    }) : () -> ()
    "tpu.region"() ({
      %run_scoped3A = tpu.sem_alloc : memref<!tpu.dma_semaphore, #tpu.memory_space<semaphore_mem>>
      %dma_start3A_27 = arith.constant 0 : i32
      %dma_start3A_28 = arith.constant 0 : i32
      %dma_start3A_29 = tpu.memref_slice %arg3[%add3A, %dma_start3A_27, %dma_start3A_28] : memref<32x40x125xi32, #tpu.memory_space<hbm>> -> memref<1x40x125xi32, #tpu.memory_space<hbm>>
      %dma_start3A_30 = tpu.memref_squeeze %dma_start3A_29 : memref<1x40x125xi32, #tpu.memory_space<hbm>> -> memref<40x125xi32, #tpu.memory_space<hbm>>
      %dma_start3A_31 = arith.constant 0 : i32
      %dma_start3A_32 = arith.constant 0 : i32
      %dma_start3A_33 = tpu.memref_slice %arg3[%add3A, %dma_start3A_31, %dma_start3A_32] : memref<32x40x125xi32, #tpu.memory_space<hbm>> -> memref<1x40x125xi32, #tpu.memory_space<hbm>>
      %dma_start3A_34 = tpu.memref_squeeze %dma_start3A_33 : memref<1x40x125xi32, #tpu.memory_space<hbm>> -> memref<40x125xi32, #tpu.memory_space<hbm>>
      tpu.enqueue_dma source(%dma_start3A_34 : memref<40x125xi32, #tpu.memory_space<hbm>>) target(%arg5 : memref<40x125xi32, #tpu.memory_space<vmem>>) target_semaphore(%run_scoped3A : memref<!tpu.dma_semaphore, #tpu.memory_space<semaphore_mem>>)
      %dma_wait3A_35 = arith.constant 0 : i32
      %dma_wait3A_36 = arith.constant 0 : i32
      %dma_wait3A_37 = tpu.memref_slice %arg3[%add3A, %dma_wait3A_35, %dma_wait3A_36] : memref<32x40x125xi32, #tpu.memory_space<hbm>> -> memref<1x40x125xi32, #tpu.memory_space<hbm>>
      %dma_wait3A_38 = tpu.memref_squeeze %dma_wait3A_37 : memref<1x40x125xi32, #tpu.memory_space<hbm>> -> memref<40x125xi32, #tpu.memory_space<hbm>>
      %dma_wait3A_39 = arith.constant 0 : i32
      %dma_wait3A_40 = arith.constant 0 : i32
      %dma_wait3A_41 = tpu.memref_slice %arg3[%add3A, %dma_wait3A_39, %dma_wait3A_40] : memref<32x40x125xi32, #tpu.memory_space<hbm>> -> memref<1x40x125xi32, #tpu.memory_space<hbm>>
      %dma_wait3A_42 = tpu.memref_squeeze %dma_wait3A_41 : memref<1x40x125xi32, #tpu.memory_space<hbm>> -> memref<40x125xi32, #tpu.memory_space<hbm>>
      tpu.wait_dma2 semaphore(%run_scoped3A : memref<!tpu.dma_semaphore, #tpu.memory_space<semaphore_mem>>) src(%dma_wait3A_42 : memref<40x125xi32, #tpu.memory_space<hbm>>) dst(%arg5 : memref<40x125xi32, #tpu.memory_space<vmem>>)
      tpu.yield
    }) : () -> ()
    %mul3A_8 = arith.constant 5000 : i32
    %mul3A_9 = arith.muli %add3A, %mul3A_8 : i32
    %dma_start3A = arith.constant 0 : i32
    %dma_start3A_10 = tpu.memref_slice %arg2[%mul3A_9, %dma_start3A] : memref<160000x16xf32, #tpu.memory_space<hbm>> -> memref<5000x16xf32, #tpu.memory_space<hbm>>
    %dma_start3A_11 = arith.constant 0 : i32
    %dma_start3A_12 = tpu.memref_slice %arg2[%mul3A_9, %dma_start3A_11] : memref<160000x16xf32, #tpu.memory_space<hbm>> -> memref<5000x16xf32, #tpu.memory_space<hbm>>
    tpu.enqueue_dma source(%dma_start3A_12 : memref<5000x16xf32, #tpu.memory_space<hbm>>) target(%arg6 : memref<5000x16xf32, #tpu.memory_space<vmem>>) target_semaphore(%arg9 : memref<!tpu.dma_semaphore, #tpu.memory_space<semaphore_mem>>)
    %dma_wait3A = arith.constant 0 : i32
    %dma_wait3A_13 = tpu.memref_slice %arg2[%mul3A_9, %dma_wait3A] : memref<160000x16xf32, #tpu.memory_space<hbm>> -> memref<5000x16xf32, #tpu.memory_space<hbm>>
    %dma_wait3A_14 = arith.constant 0 : i32
    %dma_wait3A_15 = tpu.memref_slice %arg2[%mul3A_9, %dma_wait3A_14] : memref<160000x16xf32, #tpu.memory_space<hbm>> -> memref<5000x16xf32, #tpu.memory_space<hbm>>
    tpu.wait_dma2 semaphore(%arg9 : memref<!tpu.dma_semaphore, #tpu.memory_space<semaphore_mem>>) src(%dma_wait3A_15 : memref<5000x16xf32, #tpu.memory_space<hbm>>) dst(%arg6 : memref<5000x16xf32, #tpu.memory_space<vmem>>)
    %barrier3A = arith.constant 0 : index
    tpu.barrier barrier_id(%barrier3A)
    %scan3A_16 = arith.constant 0 : i32
    %scan3A_17 = arith.constant 0 : i32
    %scan3A_18 = arith.constant 40 : i32
    %scan3A_19 = arith.addi %scan3A_17, %scan3A_18 : i32
    %scan3A_20 = arith.constant 1 : i32
    scf.for %scan3A_27 = %scan3A_17 to %scan3A_19 step %scan3A_20  : i32 {
      %mul3A_28 = arith.constant 125 : i32
      %mul3A_29 = arith.muli %scan3A_27, %mul3A_28 : i32
      "tpu.region"() ({
        %run_scoped3A = tpu.sem_alloc : memref<!tpu.dma_semaphore, #tpu.memory_space<semaphore_mem>>
        %dma_start3A_30 = arith.constant 0 : i32
        %dma_start3A_31 = tpu.memref_slice %arg6[%mul3A_29, %dma_start3A_30] : memref<5000x16xf32, #tpu.memory_space<vmem>> -> memref<125x16xf32, #tpu.memory_space<vmem>>
        %dma_start3A_32 = arith.constant 0 : i32
        %dma_start3A_33 = tpu.memref_slice %arg5[%scan3A_27, %dma_start3A_32] : memref<40x125xi32, #tpu.memory_space<vmem>> -> memref<1x125xi32, #tpu.memory_space<vmem>>
        %dma_start3A_34 = tpu.memref_squeeze %dma_start3A_33 : memref<1x125xi32, #tpu.memory_space<vmem>> -> memref<125xi32, #tpu.memory_space<vmem>>
        %dma_start3A_35 = arith.constant 0 : i32
        %dma_start3A_36 = arith.constant 0 : i32
        %dma_start3A_37 = tpu.memref_slice %arg8[%dma_start3A_35, %dma_start3A_36] : memref<10000x16xf32, #tpu.memory_space<vmem_shared>> -> memref<10000x16xf32, #tpu.memory_space<vmem_shared>>
        tpu.enqueue_indirect_dma source(%dma_start3A_31 : memref<125x16xf32, #tpu.memory_space<vmem>>) target(%dma_start3A_37 : memref<10000x16xf32, #tpu.memory_space<vmem_shared>>) offsets(%dma_start3A_34 : memref<125xi32, #tpu.memory_space<vmem>>) semaphore(%run_scoped3A : memref<!tpu.dma_semaphore, #tpu.memory_space<semaphore_mem>>) {add = true}
        %dma_wait3A_38 = arith.constant 0 : i32
        %dma_wait3A_39 = tpu.memref_slice %arg6[%mul3A_29, %dma_wait3A_38] : memref<5000x16xf32, #tpu.memory_space<vmem>> -> memref<125x16xf32, #tpu.memory_space<vmem>>
        %dma_wait3A_40 = arith.constant 0 : i32
        %dma_wait3A_41 = tpu.memref_slice %arg5[%scan3A_27, %dma_wait3A_40] : memref<40x125xi32, #tpu.memory_space<vmem>> -> memref<1x125xi32, #tpu.memory_space<vmem>>
        %dma_wait3A_42 = tpu.memref_squeeze %dma_wait3A_41 : memref<1x125xi32, #tpu.memory_space<vmem>> -> memref<125xi32, #tpu.memory_space<vmem>>
        %dma_wait3A_43 = arith.constant 0 : i32
        %dma_wait3A_44 = arith.constant 0 : i32
        %dma_wait3A_45 = tpu.memref_slice %arg8[%dma_wait3A_43, %dma_wait3A_44] : memref<10000x16xf32, #tpu.memory_space<vmem_shared>> -> memref<10000x16xf32, #tpu.memory_space<vmem_shared>>
        tpu.wait_indirect_dma semaphore(%run_scoped3A : memref<!tpu.dma_semaphore, #tpu.memory_space<semaphore_mem>>) src(%dma_wait3A_39 : memref<125x16xf32, #tpu.memory_space<vmem>>) dst(%dma_wait3A_45 : memref<10000x16xf32, #tpu.memory_space<vmem_shared>>)
        tpu.yield
      }) : () -> ()
    }
    %scan3A_21 = arith.constant 40 : i32
    %barrier3A_22 = arith.constant 0 : index
    tpu.barrier barrier_id(%barrier3A_22)
    %mul3A_23 = arith.constant 625 : i32
    %mul3A_24 = arith.muli %arg1, %mul3A_23 : i32
    %mul3A_25 = arith.constant 625 : i32
    %mul3A_26 = arith.muli %arg1, %mul3A_25 : i32
    "tpu.region"() ({
      %run_scoped3A = tpu.sem_alloc : memref<!tpu.dma_semaphore, #tpu.memory_space<semaphore_mem>>
      %dma_start3A_27 = arith.constant 0 : i32
      %dma_start3A_28 = tpu.memref_slice %arg4[%arg0, %mul3A_26, %dma_start3A_27] : memref<2x10000x16xf32, #tpu.memory_space<hbm>> -> memref<1x625x16xf32, #tpu.memory_space<hbm>>
      %dma_start3A_29 = tpu.memref_squeeze %dma_start3A_28 : memref<1x625x16xf32, #tpu.memory_space<hbm>> -> memref<625x16xf32, #tpu.memory_space<hbm>>
      %dma_start3A_30 = arith.constant 0 : i32
      %dma_start3A_31 = tpu.memref_slice %arg8[%mul3A_24, %dma_start3A_30] : memref<10000x16xf32, #tpu.memory_space<vmem_shared>> -> memref<625x16xf32, #tpu.memory_space<vmem_shared>>
      tpu.enqueue_dma source(%dma_start3A_31 : memref<625x16xf32, #tpu.memory_space<vmem_shared>>) target(%dma_start3A_29 : memref<625x16xf32, #tpu.memory_space<hbm>>) target_semaphore(%run_scoped3A : memref<!tpu.dma_semaphore, #tpu.memory_space<semaphore_mem>>)
      %dma_wait3A_32 = arith.constant 0 : i32
      %dma_wait3A_33 = tpu.memref_slice %arg4[%arg0, %mul3A_26, %dma_wait3A_32] : memref<2x10000x16xf32, #tpu.memory_space<hbm>> -> memref<1x625x16xf32, #tpu.memory_space<hbm>>
      %dma_wait3A_34 = tpu.memref_squeeze %dma_wait3A_33 : memref<1x625x16xf32, #tpu.memory_space<hbm>> -> memref<625x16xf32, #tpu.memory_space<hbm>>
      %dma_wait3A_35 = arith.constant 0 : i32
      %dma_wait3A_36 = tpu.memref_slice %arg8[%mul3A_24, %dma_wait3A_35] : memref<10000x16xf32, #tpu.memory_space<vmem_shared>> -> memref<625x16xf32, #tpu.memory_space<vmem_shared>>
      tpu.wait_dma2 semaphore(%run_scoped3A : memref<!tpu.dma_semaphore, #tpu.memory_space<semaphore_mem>>) src(%dma_wait3A_36 : memref<625x16xf32, #tpu.memory_space<vmem_shared>>) dst(%dma_wait3A_34 : memref<625x16xf32, #tpu.memory_space<hbm>>)
      tpu.yield
    }) : () -> ()
    return
  }
}

#map = affine_map<(d0, d1) -> (0, 0)>
#map1 = affine_map<(d0, d1) -> (0, 0, 0)>
module attributes {stable_mosaic.version = 14 : i64} {
  func.func @body(%arg0: i32, %arg1: i32, %arg2: memref<10000x16xf32, #tpu.memory_space<hbm>>, %arg3: memref<32x40x125xi32, #tpu.memory_space<hbm>>, %arg4: memref<160000x16xf32, #tpu.memory_space<hbm>>, %arg5: memref<40x125xi32, #tpu.memory_space<vmem>>, %arg6: memref<5000x16xf32, #tpu.memory_space<vmem>>, %arg7: memref<!tpu.dma_semaphore, #tpu.memory_space<semaphore_mem>>) attributes {dimension_semantics = [#tpu.dimension_semantics<core_parallel>, #tpu.dimension_semantics<subcore_parallel>], iteration_bounds = array<i64: 2, 16>, scalar_prefetch = 0 : i64, scratch_operands = 3 : i64, tpu.core_type = #tpu.core_type<sc_vector_subcore>, window_params = [{transform_indices = #map}, {transform_indices = #map1}, {transform_indices = #map}]} {
    %mul3A = arith.constant 2 : i32
    %mul3A_0 = arith.muli %arg1, %mul3A : i32
    %add3A = arith.addi %mul3A_0, %arg0 : i32
    "tpu.region"() ({
      %run_scoped3A = tpu.sem_alloc : memref<!tpu.dma_semaphore, #tpu.memory_space<semaphore_mem>>
      %dma_start3A = arith.constant 0 : i32
      %dma_start3A_14 = arith.constant 0 : i32
      %dma_start3A_15 = tpu.memref_slice %arg3[%add3A, %dma_start3A, %dma_start3A_14] : memref<32x40x125xi32, #tpu.memory_space<hbm>> -> memref<1x40x125xi32, #tpu.memory_space<hbm>>
      %dma_start3A_16 = tpu.memref_squeeze %dma_start3A_15 : memref<1x40x125xi32, #tpu.memory_space<hbm>> -> memref<40x125xi32, #tpu.memory_space<hbm>>
      %dma_start3A_17 = arith.constant 0 : i32
      %dma_start3A_18 = arith.constant 0 : i32
      %dma_start3A_19 = tpu.memref_slice %arg3[%add3A, %dma_start3A_17, %dma_start3A_18] : memref<32x40x125xi32, #tpu.memory_space<hbm>> -> memref<1x40x125xi32, #tpu.memory_space<hbm>>
      %dma_start3A_20 = tpu.memref_squeeze %dma_start3A_19 : memref<1x40x125xi32, #tpu.memory_space<hbm>> -> memref<40x125xi32, #tpu.memory_space<hbm>>
      tpu.enqueue_dma source(%dma_start3A_20 : memref<40x125xi32, #tpu.memory_space<hbm>>) target(%arg5 : memref<40x125xi32, #tpu.memory_space<vmem>>) target_semaphore(%run_scoped3A : memref<!tpu.dma_semaphore, #tpu.memory_space<semaphore_mem>>)
      %dma_wait3A = arith.constant 0 : i32
      %dma_wait3A_21 = arith.constant 0 : i32
      %dma_wait3A_22 = tpu.memref_slice %arg3[%add3A, %dma_wait3A, %dma_wait3A_21] : memref<32x40x125xi32, #tpu.memory_space<hbm>> -> memref<1x40x125xi32, #tpu.memory_space<hbm>>
      %dma_wait3A_23 = tpu.memref_squeeze %dma_wait3A_22 : memref<1x40x125xi32, #tpu.memory_space<hbm>> -> memref<40x125xi32, #tpu.memory_space<hbm>>
      %dma_wait3A_24 = arith.constant 0 : i32
      %dma_wait3A_25 = arith.constant 0 : i32
      %dma_wait3A_26 = tpu.memref_slice %arg3[%add3A, %dma_wait3A_24, %dma_wait3A_25] : memref<32x40x125xi32, #tpu.memory_space<hbm>> -> memref<1x40x125xi32, #tpu.memory_space<hbm>>
      %dma_wait3A_27 = tpu.memref_squeeze %dma_wait3A_26 : memref<1x40x125xi32, #tpu.memory_space<hbm>> -> memref<40x125xi32, #tpu.memory_space<hbm>>
      tpu.wait_dma2 semaphore(%run_scoped3A : memref<!tpu.dma_semaphore, #tpu.memory_space<semaphore_mem>>) src(%dma_wait3A_27 : memref<40x125xi32, #tpu.memory_space<hbm>>) dst(%arg5 : memref<40x125xi32, #tpu.memory_space<vmem>>)
      tpu.yield
    }) : () -> ()
    %scan3A = arith.constant 0 : i32
    %scan3A_1 = arith.constant 0 : i32
    %scan3A_2 = arith.constant 40 : i32
    %scan3A_3 = arith.addi %scan3A_1, %scan3A_2 : i32
    %scan3A_4 = arith.constant 1 : i32
    scf.for %scan3A_14 = %scan3A_1 to %scan3A_3 step %scan3A_4  : i32 {
      %mul3A_15 = arith.constant 125 : i32
      %mul3A_16 = arith.muli %scan3A_14, %mul3A_15 : i32
      %dma_start3A = arith.constant 0 : i32
      %dma_start3A_17 = tpu.memref_slice %arg6[%mul3A_16, %dma_start3A] : memref<5000x16xf32, #tpu.memory_space<vmem>> -> memref<125x16xf32, #tpu.memory_space<vmem>>
      %dma_start3A_18 = arith.constant 0 : i32
      %dma_start3A_19 = tpu.memref_slice %arg5[%scan3A_14, %dma_start3A_18] : memref<40x125xi32, #tpu.memory_space<vmem>> -> memref<1x125xi32, #tpu.memory_space<vmem>>
      %dma_start3A_20 = tpu.memref_squeeze %dma_start3A_19 : memref<1x125xi32, #tpu.memory_space<vmem>> -> memref<125xi32, #tpu.memory_space<vmem>>
      %dma_start3A_21 = arith.constant 0 : i32
      %dma_start3A_22 = arith.constant 0 : i32
      %dma_start3A_23 = tpu.memref_slice %arg2[%dma_start3A_21, %dma_start3A_22] : memref<10000x16xf32, #tpu.memory_space<hbm>> -> memref<10000x16xf32, #tpu.memory_space<hbm>>
      tpu.enqueue_indirect_dma source(%dma_start3A_23 : memref<10000x16xf32, #tpu.memory_space<hbm>>) target(%dma_start3A_17 : memref<125x16xf32, #tpu.memory_space<vmem>>) offsets(%dma_start3A_20 : memref<125xi32, #tpu.memory_space<vmem>>) semaphore(%arg7 : memref<!tpu.dma_semaphore, #tpu.memory_space<semaphore_mem>>)
    }
    %scan3A_5 = arith.constant 40 : i32
    %scan3A_6 = arith.constant 0 : i32
    %scan3A_7 = arith.constant 0 : i32
    %scan3A_8 = arith.constant 40 : i32
    %scan3A_9 = arith.addi %scan3A_7, %scan3A_8 : i32
    %scan3A_10 = arith.constant 1 : i32
    scf.for %scan3A_14 = %scan3A_7 to %scan3A_9 step %scan3A_10  : i32 {
      %mul3A_15 = arith.constant 125 : i32
      %mul3A_16 = arith.muli %scan3A_14, %mul3A_15 : i32
      %dma_wait3A = arith.constant 0 : i32
      %dma_wait3A_17 = tpu.memref_slice %arg6[%mul3A_16, %dma_wait3A] : memref<5000x16xf32, #tpu.memory_space<vmem>> -> memref<125x16xf32, #tpu.memory_space<vmem>>
      %dma_wait3A_18 = arith.constant 0 : i32
      %dma_wait3A_19 = tpu.memref_slice %arg5[%scan3A_14, %dma_wait3A_18] : memref<40x125xi32, #tpu.memory_space<vmem>> -> memref<1x125xi32, #tpu.memory_space<vmem>>
      %dma_wait3A_20 = tpu.memref_squeeze %dma_wait3A_19 : memref<1x125xi32, #tpu.memory_space<vmem>> -> memref<125xi32, #tpu.memory_space<vmem>>
      %dma_wait3A_21 = arith.constant 0 : i32
      %dma_wait3A_22 = arith.constant 0 : i32
      %dma_wait3A_23 = tpu.memref_slice %arg2[%dma_wait3A_21, %dma_wait3A_22] : memref<10000x16xf32, #tpu.memory_space<hbm>> -> memref<10000x16xf32, #tpu.memory_space<hbm>>
      tpu.wait_indirect_dma semaphore(%arg7 : memref<!tpu.dma_semaphore, #tpu.memory_space<semaphore_mem>>) src(%dma_wait3A_23 : memref<10000x16xf32, #tpu.memory_space<hbm>>) dst(%dma_wait3A_17 : memref<125x16xf32, #tpu.memory_space<vmem>>)
    }
    %scan3A_11 = arith.constant 40 : i32
    %mul3A_12 = arith.constant 5000 : i32
    %mul3A_13 = arith.muli %add3A, %mul3A_12 : i32
    "tpu.region"() ({
      %run_scoped3A = tpu.sem_alloc : memref<!tpu.dma_semaphore, #tpu.memory_space<semaphore_mem>>
      %dma_start3A = arith.constant 0 : i32
      %dma_start3A_14 = tpu.memref_slice %arg4[%mul3A_13, %dma_start3A] : memref<160000x16xf32, #tpu.memory_space<hbm>> -> memref<5000x16xf32, #tpu.memory_space<hbm>>
      %dma_start3A_15 = arith.constant 0 : i32
      %dma_start3A_16 = tpu.memref_slice %arg4[%mul3A_13, %dma_start3A_15] : memref<160000x16xf32, #tpu.memory_space<hbm>> -> memref<5000x16xf32, #tpu.memory_space<hbm>>
      tpu.enqueue_dma source(%arg6 : memref<5000x16xf32, #tpu.memory_space<vmem>>) target(%dma_start3A_16 : memref<5000x16xf32, #tpu.memory_space<hbm>>) target_semaphore(%run_scoped3A : memref<!tpu.dma_semaphore, #tpu.memory_space<semaphore_mem>>)
      %dma_wait3A = arith.constant 0 : i32
      %dma_wait3A_17 = tpu.memref_slice %arg4[%mul3A_13, %dma_wait3A] : memref<160000x16xf32, #tpu.memory_space<hbm>> -> memref<5000x16xf32, #tpu.memory_space<hbm>>
      %dma_wait3A_18 = arith.constant 0 : i32
      %dma_wait3A_19 = tpu.memref_slice %arg4[%mul3A_13, %dma_wait3A_18] : memref<160000x16xf32, #tpu.memory_space<hbm>> -> memref<5000x16xf32, #tpu.memory_space<hbm>>
      tpu.wait_dma2 semaphore(%run_scoped3A : memref<!tpu.dma_semaphore, #tpu.memory_space<semaphore_mem>>) src(%arg6 : memref<5000x16xf32, #tpu.memory_space<vmem>>) dst(%dma_wait3A_19 : memref<5000x16xf32, #tpu.memory_space<hbm>>)
      tpu.yield
    }) : () -> ()
    return
  }
}

module attributes {stable_mosaic.version = 14 : i64} {
  func.func @body(%arg0: i32, %arg1: memref<16x16000xf32, #tpu.memory_space<vmem>>, %arg2: memref<16x16000xf32, #tpu.memory_space<vmem>>, %arg3: memref<16x256xf32, #tpu.memory_space<vmem>>, %arg4: memref<16x16xf32, #tpu.memory_space<vmem>>, %arg5: memref<16x16000xf32, #tpu.memory_space<vmem>>) attributes {dimension_semantics = [#tpu.dimension_semantics<arbitrary>], iteration_bounds = array<i64: 10>, scalar_prefetch = 0 : i64, scratch_operands = 0 : i64, tpu.core_type = #tpu.core_type<tc>, window_params = [{transform_indices = @transform_0, window_bounds = array<i64: 16, 16000>}, {transform_indices = @transform_1, window_bounds = array<i64: 16, 16000>}, {pipeline_mode = #tpu.pipeline_mode<synchronous>, transform_indices = @transform_2, window_bounds = array<i64: 16, 256>}, {pipeline_mode = #tpu.pipeline_mode<synchronous>, transform_indices = @transform_3, window_bounds = array<i64: 16, 16>}, {transform_indices = @transform_4, window_bounds = array<i64: 16, 16000>}]} {
    %get3A = arith.constant 0 : index
    %get3A_0 = arith.constant 0 : index
    %get3A_1 = vector.load %arg1[%get3A, %get3A_0] : memref<16x16000xf32, #tpu.memory_space<vmem>>, vector<16x16000xf32>
    %convert_element_type3A = arith.truncf %get3A_1 : vector<16x16000xf32> to vector<16x16000xbf16>
    %get3A_2 = arith.constant 0 : index
    %get3A_3 = arith.constant 0 : index
    %get3A_4 = vector.load %arg2[%get3A_2, %get3A_3] : memref<16x16000xf32, #tpu.memory_space<vmem>>, vector<16x16000xf32>
    %convert_element_type3A_5 = arith.truncf %get3A_4 : vector<16x16000xf32> to vector<16x16000xbf16>
    %slice3A = vector.extract_strided_slice %convert_element_type3A {offsets = [0, 0], sizes = [1, 16000], strides = [1, 1]} : vector<16x16000xbf16> to vector<1x16000xbf16>
    %broadcast_in_dim3A = vector.shape_cast %slice3A : vector<1x16000xbf16> to vector<1x16000xbf16>
    %broadcast_in_dim3A_6 = vector.broadcast %broadcast_in_dim3A : vector<1x16000xbf16> to vector<16x16000xbf16>
    %slice3A_7 = vector.extract_strided_slice %convert_element_type3A {offsets = [1, 0], sizes = [1, 16000], strides = [1, 1]} : vector<16x16000xbf16> to vector<1x16000xbf16>
    %broadcast_in_dim3A_8 = vector.shape_cast %slice3A_7 : vector<1x16000xbf16> to vector<1x16000xbf16>
    %broadcast_in_dim3A_9 = vector.broadcast %broadcast_in_dim3A_8 : vector<1x16000xbf16> to vector<16x16000xbf16>
    %slice3A_10 = vector.extract_strided_slice %convert_element_type3A {offsets = [2, 0], sizes = [1, 16000], strides = [1, 1]} : vector<16x16000xbf16> to vector<1x16000xbf16>
    %broadcast_in_dim3A_11 = vector.shape_cast %slice3A_10 : vector<1x16000xbf16> to vector<1x16000xbf16>
    %broadcast_in_dim3A_12 = vector.broadcast %broadcast_in_dim3A_11 : vector<1x16000xbf16> to vector<16x16000xbf16>
    %slice3A_13 = vector.extract_strided_slice %convert_element_type3A {offsets = [3, 0], sizes = [1, 16000], strides = [1, 1]} : vector<16x16000xbf16> to vector<1x16000xbf16>
    %broadcast_in_dim3A_14 = vector.shape_cast %slice3A_13 : vector<1x16000xbf16> to vector<1x16000xbf16>
    %broadcast_in_dim3A_15 = vector.broadcast %broadcast_in_dim3A_14 : vector<1x16000xbf16> to vector<16x16000xbf16>
    %slice3A_16 = vector.extract_strided_slice %convert_element_type3A {offsets = [4, 0], sizes = [1, 16000], strides = [1, 1]} : vector<16x16000xbf16> to vector<1x16000xbf16>
    %broadcast_in_dim3A_17 = vector.shape_cast %slice3A_16 : vector<1x16000xbf16> to vector<1x16000xbf16>
    %broadcast_in_dim3A_18 = vector.broadcast %broadcast_in_dim3A_17 : vector<1x16000xbf16> to vector<16x16000xbf16>
    %slice3A_19 = vector.extract_strided_slice %convert_element_type3A {offsets = [5, 0], sizes = [1, 16000], strides = [1, 1]} : vector<16x16000xbf16> to vector<1x16000xbf16>
    %broadcast_in_dim3A_20 = vector.shape_cast %slice3A_19 : vector<1x16000xbf16> to vector<1x16000xbf16>
    %broadcast_in_dim3A_21 = vector.broadcast %broadcast_in_dim3A_20 : vector<1x16000xbf16> to vector<16x16000xbf16>
    %slice3A_22 = vector.extract_strided_slice %convert_element_type3A {offsets = [6, 0], sizes = [1, 16000], strides = [1, 1]} : vector<16x16000xbf16> to vector<1x16000xbf16>
    %broadcast_in_dim3A_23 = vector.shape_cast %slice3A_22 : vector<1x16000xbf16> to vector<1x16000xbf16>
    %broadcast_in_dim3A_24 = vector.broadcast %broadcast_in_dim3A_23 : vector<1x16000xbf16> to vector<16x16000xbf16>
    %slice3A_25 = vector.extract_strided_slice %convert_element_type3A {offsets = [7, 0], sizes = [1, 16000], strides = [1, 1]} : vector<16x16000xbf16> to vector<1x16000xbf16>
    %broadcast_in_dim3A_26 = vector.shape_cast %slice3A_25 : vector<1x16000xbf16> to vector<1x16000xbf16>
    %broadcast_in_dim3A_27 = vector.broadcast %broadcast_in_dim3A_26 : vector<1x16000xbf16> to vector<16x16000xbf16>
    %slice3A_28 = vector.extract_strided_slice %convert_element_type3A {offsets = [8, 0], sizes = [1, 16000], strides = [1, 1]} : vector<16x16000xbf16> to vector<1x16000xbf16>
    %broadcast_in_dim3A_29 = vector.shape_cast %slice3A_28 : vector<1x16000xbf16> to vector<1x16000xbf16>
    %broadcast_in_dim3A_30 = vector.broadcast %broadcast_in_dim3A_29 : vector<1x16000xbf16> to vector<16x16000xbf16>
    %slice3A_31 = vector.extract_strided_slice %convert_element_type3A {offsets = [9, 0], sizes = [1, 16000], strides = [1, 1]} : vector<16x16000xbf16> to vector<1x16000xbf16>
    %broadcast_in_dim3A_32 = vector.shape_cast %slice3A_31 : vector<1x16000xbf16> to vector<1x16000xbf16>
    %broadcast_in_dim3A_33 = vector.broadcast %broadcast_in_dim3A_32 : vector<1x16000xbf16> to vector<16x16000xbf16>
    %slice3A_34 = vector.extract_strided_slice %convert_element_type3A {offsets = [10, 0], sizes = [1, 16000], strides = [1, 1]} : vector<16x16000xbf16> to vector<1x16000xbf16>
    %broadcast_in_dim3A_35 = vector.shape_cast %slice3A_34 : vector<1x16000xbf16> to vector<1x16000xbf16>
    %broadcast_in_dim3A_36 = vector.broadcast %broadcast_in_dim3A_35 : vector<1x16000xbf16> to vector<16x16000xbf16>
    %slice3A_37 = vector.extract_strided_slice %convert_element_type3A {offsets = [11, 0], sizes = [1, 16000], strides = [1, 1]} : vector<16x16000xbf16> to vector<1x16000xbf16>
    %broadcast_in_dim3A_38 = vector.shape_cast %slice3A_37 : vector<1x16000xbf16> to vector<1x16000xbf16>
    %broadcast_in_dim3A_39 = vector.broadcast %broadcast_in_dim3A_38 : vector<1x16000xbf16> to vector<16x16000xbf16>
    %slice3A_40 = vector.extract_strided_slice %convert_element_type3A {offsets = [12, 0], sizes = [1, 16000], strides = [1, 1]} : vector<16x16000xbf16> to vector<1x16000xbf16>
    %broadcast_in_dim3A_41 = vector.shape_cast %slice3A_40 : vector<1x16000xbf16> to vector<1x16000xbf16>
    %broadcast_in_dim3A_42 = vector.broadcast %broadcast_in_dim3A_41 : vector<1x16000xbf16> to vector<16x16000xbf16>
    %slice3A_43 = vector.extract_strided_slice %convert_element_type3A {offsets = [13, 0], sizes = [1, 16000], strides = [1, 1]} : vector<16x16000xbf16> to vector<1x16000xbf16>
    %broadcast_in_dim3A_44 = vector.shape_cast %slice3A_43 : vector<1x16000xbf16> to vector<1x16000xbf16>
    %broadcast_in_dim3A_45 = vector.broadcast %broadcast_in_dim3A_44 : vector<1x16000xbf16> to vector<16x16000xbf16>
    %slice3A_46 = vector.extract_strided_slice %convert_element_type3A {offsets = [14, 0], sizes = [1, 16000], strides = [1, 1]} : vector<16x16000xbf16> to vector<1x16000xbf16>
    %broadcast_in_dim3A_47 = vector.shape_cast %slice3A_46 : vector<1x16000xbf16> to vector<1x16000xbf16>
    %broadcast_in_dim3A_48 = vector.broadcast %broadcast_in_dim3A_47 : vector<1x16000xbf16> to vector<16x16000xbf16>
    %slice3A_49 = vector.extract_strided_slice %convert_element_type3A {offsets = [15, 0], sizes = [1, 16000], strides = [1, 1]} : vector<16x16000xbf16> to vector<1x16000xbf16>
    %broadcast_in_dim3A_50 = vector.shape_cast %slice3A_49 : vector<1x16000xbf16> to vector<1x16000xbf16>
    %broadcast_in_dim3A_51 = vector.broadcast %broadcast_in_dim3A_50 : vector<1x16000xbf16> to vector<16x16000xbf16>
    %concatenate3A = tpu.concatenate %broadcast_in_dim3A_6, %broadcast_in_dim3A_9, %broadcast_in_dim3A_12, %broadcast_in_dim3A_15, %broadcast_in_dim3A_18, %broadcast_in_dim3A_21, %broadcast_in_dim3A_24, %broadcast_in_dim3A_27, %broadcast_in_dim3A_30, %broadcast_in_dim3A_33, %broadcast_in_dim3A_36, %broadcast_in_dim3A_39, %broadcast_in_dim3A_42, %broadcast_in_dim3A_45, %broadcast_in_dim3A_48, %broadcast_in_dim3A_51 in 0 : vector<16x16000xbf16>, vector<16x16000xbf16>, vector<16x16000xbf16>, vector<16x16000xbf16>, vector<16x16000xbf16>, vector<16x16000xbf16>, vector<16x16000xbf16>, vector<16x16000xbf16>, vector<16x16000xbf16>, vector<16x16000xbf16>, vector<16x16000xbf16>, vector<16x16000xbf16>, vector<16x16000xbf16>, vector<16x16000xbf16>, vector<16x16000xbf16>, vector<16x16000xbf16> -> vector<256x16000xbf16>
    %concatenate3A_52 = tpu.concatenate %convert_element_type3A_5, %convert_element_type3A_5, %convert_element_type3A_5, %convert_element_type3A_5, %convert_element_type3A_5, %convert_element_type3A_5, %convert_element_type3A_5, %convert_element_type3A_5, %convert_element_type3A_5, %convert_element_type3A_5, %convert_element_type3A_5, %convert_element_type3A_5, %convert_element_type3A_5, %convert_element_type3A_5, %convert_element_type3A_5, %convert_element_type3A_5 in 0 : vector<16x16000xbf16>, vector<16x16000xbf16>, vector<16x16000xbf16>, vector<16x16000xbf16>, vector<16x16000xbf16>, vector<16x16000xbf16>, vector<16x16000xbf16>, vector<16x16000xbf16>, vector<16x16000xbf16>, vector<16x16000xbf16>, vector<16x16000xbf16>, vector<16x16000xbf16>, vector<16x16000xbf16>, vector<16x16000xbf16>, vector<16x16000xbf16>, vector<16x16000xbf16> -> vector<256x16000xbf16>
    %mul3A = arith.mulf %concatenate3A, %concatenate3A_52 : vector<256x16000xbf16>
    %get3A_53 = arith.constant 0 : index
    %get3A_54 = arith.constant 0 : index
    %get3A_55 = vector.load %arg3[%get3A_53, %get3A_54] : memref<16x256xf32, #tpu.memory_space<vmem>>, vector<16x256xf32>
    %convert_element_type3A_56 = arith.truncf %get3A_55 : vector<16x256xf32> to vector<16x256xbf16>
    %dot_general3A = arith.constant dense<0.000000e+00> : vector<16x16000xf32>
    %dot_general3A_57 = tpu.matmul %convert_element_type3A_56, %mul3A, %dot_general3A {dimension_numbers = #tpu.dot_dimension_numbers<[1], [0], [0], [1], [0, 0, 1, 1], [], []>, transpose_lhs_hint = false} : vector<16x256xbf16>, vector<256x16000xbf16>, vector<16x16000xf32> -> vector<16x16000xf32>
    %get3A_58 = arith.constant 0 : index
    %get3A_59 = arith.constant 0 : index
    %get3A_60 = vector.load %arg4[%get3A_58, %get3A_59] : memref<16x16xf32, #tpu.memory_space<vmem>>, vector<16x16xf32>
    %convert_element_type3A_61 = arith.truncf %get3A_60 : vector<16x16xf32> to vector<16x16xbf16>
    %dot_general3A_62 = arith.constant dense<0.000000e+00> : vector<16x16000xf32>
    %dot_general3A_63 = tpu.matmul %convert_element_type3A_61, %convert_element_type3A_5, %dot_general3A_62 {dimension_numbers = #tpu.dot_dimension_numbers<[1], [0], [0], [1], [0, 0, 1, 1], [], []>, transpose_lhs_hint = false} : vector<16x16xbf16>, vector<16x16000xbf16>, vector<16x16000xf32> -> vector<16x16000xf32>
    %add3A = arith.addf %dot_general3A_57, %dot_general3A_63 : vector<16x16000xf32>
    %swap3A = arith.constant 0 : index
    %swap3A_64 = arith.constant 0 : index
    %swap3A_65 = vector.load %arg5[%swap3A, %swap3A_64] : memref<16x16000xf32, #tpu.memory_space<vmem>>, vector<16x16000xf32>
    tpu.vector_store %arg5[%swap3A, %swap3A_64], %add3A {strides = array<i32>} : memref<16x16000xf32, #tpu.memory_space<vmem>>, vector<16x16000xf32>,
    return
  }
  func.func @transform_0(%arg0: i32) -> (i32, i32) {
    %c0_i32 = arith.constant 0 : i32
    %c0_i32_0 = arith.constant 0 : i32
    return %c0_i32, %arg0 : i32, i32
  }
  func.func @transform_1(%arg0: i32) -> (i32, i32) {
    %c0_i32 = arith.constant 0 : i32
    %c0_i32_0 = arith.constant 0 : i32
    return %c0_i32, %arg0 : i32, i32
  }
  func.func @transform_2(%arg0: i32) -> (i32, i32) {
    %c0_i32 = arith.constant 0 : i32
    %c0_i32_0 = arith.constant 0 : i32
    %c0_i32_1 = arith.constant 0 : i32
    return %c0_i32, %c0_i32_0 : i32, i32
  }
  func.func @transform_3(%arg0: i32) -> (i32, i32) {
    %c0_i32 = arith.constant 0 : i32
    %c0_i32_0 = arith.constant 0 : i32
    %c0_i32_1 = arith.constant 0 : i32
    return %c0_i32, %c0_i32_0 : i32, i32
  }
  func.func @transform_4(%arg0: i32) -> (i32, i32) {
    %c0_i32 = arith.constant 0 : i32
    %c0_i32_0 = arith.constant 0 : i32
    return %c0_i32, %arg0 : i32, i32
  }
}

module attributes {stable_mosaic.version = 14 : i64} {
  func.func @body(%arg0: memref<10000x16xf32, #tpu.memory_space<vmem>>, %arg1: memref<16x16xf32, #tpu.memory_space<vmem>>, %arg2: memref<1x16xf32, #tpu.memory_space<vmem>>, %arg3: memref<10000x16xf32, #tpu.memory_space<vmem>>, %arg4: memref<10000x16xf32, #tpu.memory_space<vmem>>, %arg5: memref<10000x16xf32, #tpu.memory_space<vmem>>) attributes {dimension_semantics = [], scalar_prefetch = 0 : i64, scratch_operands = 0 : i64, tpu.core_type = #tpu.core_type<tc>} {
    %get3A = arith.constant 0 : index
    %get3A_0 = arith.constant 0 : index
    %get3A_1 = vector.load %arg0[%get3A, %get3A_0] : memref<10000x16xf32, #tpu.memory_space<vmem>>, vector<10000x16xf32>
    %get3A_2 = arith.constant 0 : index
    %get3A_3 = arith.constant 0 : index
    %get3A_4 = vector.load %arg1[%get3A_2, %get3A_3] : memref<16x16xf32, #tpu.memory_space<vmem>>, vector<16x16xf32>
    %dot_general3A = arith.constant dense<0.000000e+00> : vector<10000x16xf32>
    %dot_general3A_5 = tpu.matmul %get3A_1, %get3A_4, %dot_general3A {dimension_numbers = #tpu.dot_dimension_numbers<[1], [0], [0], [1], [0, 0, 1, 1], [], []>, transpose_lhs_hint = false} : vector<10000x16xf32>, vector<16x16xf32>, vector<10000x16xf32> -> vector<10000x16xf32>
    %get3A_6 = arith.constant 0 : index
    %get3A_7 = arith.constant 0 : index
    %get3A_8 = vector.load %arg2[%get3A_6, %get3A_7] : memref<1x16xf32, #tpu.memory_space<vmem>>, vector<1x16xf32>
    %add3A = vector.broadcast %get3A_8 : vector<1x16xf32> to vector<10000x16xf32>
    %add3A_9 = arith.addf %dot_general3A_5, %add3A : vector<10000x16xf32>
    %get3A_10 = arith.constant 0 : index
    %get3A_11 = arith.constant 0 : index
    %get3A_12 = vector.load %arg3[%get3A_10, %get3A_11] : memref<10000x16xf32, #tpu.memory_space<vmem>>, vector<10000x16xf32>
    %add3A_13 = arith.addf %add3A_9, %get3A_12 : vector<10000x16xf32>
    %get3A_14 = arith.constant 0 : index
    %get3A_15 = arith.constant 0 : index
    %get3A_16 = vector.load %arg4[%get3A_14, %get3A_15] : memref<10000x16xf32, #tpu.memory_space<vmem>>, vector<10000x16xf32>
    %add3A_17 = arith.addf %add3A_13, %get3A_16 : vector<10000x16xf32>
    %swap3A = arith.constant 0 : index
    %swap3A_18 = arith.constant 0 : index
    %swap3A_19 = vector.load %arg5[%swap3A, %swap3A_18] : memref<10000x16xf32, #tpu.memory_space<vmem>>, vector<10000x16xf32>
    tpu.vector_store %arg5[%swap3A, %swap3A_18], %add3A_17 {strides = array<i32>} : memref<10000x16xf32, #tpu.memory_space<vmem>>, vector<10000x16xf32>,
    return
  }
}

</mosaic_0001>

<sc_bundles>
// kernel: kernel.6.cloned.1.call-start
scs
__scs_entry_jumppad:
0x0: {  	(pc) =	sbr.rel $0x88, $3  }
0x1: {  	(tag) =	ssettag $0x0;
	lr =	simm.s32 $0x1  }
0x2: {  	[smem:$0x3F9A] =	sst lr;
	_ =	strace $0xD0000000  }
0x3: {  	_ = 	snop  }
0x4: {  	_ = 	snop  }
0x5: {  	_ = 	snop  }
0x6: {  	_ = 	snop  }
0x7: {  	_ = 	snop  }
__scs_overlays_trampoline_lowered:
0x8: {  	[smem:$0x3FA9] =	sst s0  }
0x9: {  	[smem:$0x3FAA] =	sst s1  }
0xa: {  	[smem:$0x3FAB] =	sst s2  }
0xb: {  	[smem:$0x3FAC] =	sst s3  }
0xc: {  	[smem:$0x3FAD] =	sst s4  }
0xd: {  	[smem:$0x3FAE] =	sst s5  }
0xe: {  	[smem:$0x3FAF] =	sst s6  }
0xf: {  	[smem:$0x3FB0] =	sst s7  }
0x10: {  	[smem:$0x3FB1] =	sst s8  }
0x11: {  	[smem:$0x3FB2] =	sst s9;
	s0 =	simm.s32 @!p0 $0x0  }
0x12: {  	s1 =	sld [smem:$0x3F98];
	s0 =	simm.s32 @p0 $0x1  }
0x13: {  	[smem:$0x3FB3] =	sst s0;
	s0 =	simm.s32 @!p1 $0x0  }
0x14: {  	s2 =	sld [smem:$0x3F97];
	s0 =	simm.s32 @p1 $0x1  }
0x15: {  	[smem:$0x3FB4] =	sst s0;
	s0 =	simm.s32 @!p2 $0x0  }
0x16: {  	s3 =	sld [smem:$0x3FDB];
	s0 =	simm.s32 @p2 $0x1  }
0x17: {  	s4 =	simm.s32 $0x1BF5;
	[smem:$0x3FB6] =	sst s0  }
0x18: {  	s0 =	sld [smem:$0x3F99];
	_ =	swait.ge [sflag:s4], $0x0  }
0x19: {  	s7 =	sld [smem:$0x3F9A]  }
0x1a: {  	s8 =	sadd.s32 $0xFFFFE003, lr  }
0x1b: {  	s9 =	sadd.s32 $0xFFFFFEF7, lr;
	s5 =	simm.s32 $0xFFFFFFFF;
	p2 =	slt.u32 s8, $0xFFFFF086  }
0x1c: {  	p1 =	slt.u32 s9, $0xF7A;
	s5 =	simm.s32 @!p2 $0x0  }
0x1d: {  	s5 =	simm.s32 @p1 $0x1;
	p0 =	seq.s32 s7, s2  }
0x1e: {  	s7 =	smul.u32 @!p0 $0xF7A, s2;
	p2 =	seq.s32 @!p0 s5, $0x0  }
0x1f: {  	s9 =	smul.u32 $0xF7A, s1;
	s8 =	simm.s32 @!p0 $0x1BF5;
	p2 =	por !p2, p0  }
0x20: {  	[sflag:s8] =	ssyncset.s32 @!p0 $0xFFFFF086;
	s6 =	sadd.s32 @!p0 s3, s7;
	s7 =	simm.s32 @!p0 $0x108  }
0x21: {  	s3 =	sadd.s32 s3, s9;
	s6 =	sadd.s32 @!p0 $0x88, s6;
	s7 =	simm.s32 @p2 $0x1082  }
0x22: {  	[simem:s7], [sflag:s8] =	dma.local @!p0 [hbm:s6], $0xF7A  }
0x23: {  	s9 =	sor.u32 $0xD0000000, s2;
	s6 =	simm.s32 $0x108;
	_ =	swait.ge @!p0 [sflag:s8], $0x0  }
0x24: {  	s3 =	sadd.s32 $0x88, s3;
	s6 =	simm.s32 @!p1 $0x1082;
	[sflag:s4] =	ssyncset.s32 $0xFFFFF086  }
0x25: {  	[simem:s6], [sflag:s4] =	dma.local [hbm:s3], $0xF7A  }
0x26: {  	[smem:$0x3F9A] =	sst s1;
	(tag) =	ssettag s2;
	_ =	strace s9  }
0x27: {  	s1 =	sld [smem:$0x3FAA]  }
0x28: {  	s2 =	sld [smem:$0x3FAB]  }
0x29: {  	s4 =	sld [smem:$0x3FAD]  }
0x2a: {  	p0 =	seq.s32 s5, $0x0;
	s5 =	sld [smem:$0x3FAE]  }
0x2b: {  	s6 =	sld [smem:$0x3FAF]  }
0x2c: {  	s7 =	sld [smem:$0x3FB0]  }
0x2d: {  	s3 =	simm.s32 $0x108;
	s8 =	sld [smem:$0x3FB1]  }
0x2e: {  	s3 =	simm.s32 @!p0 $0x1082;
	s9 =	sld [smem:$0x3FB2]  }
0x2f: {  	lr =	sadd.s32 s0, s3;
	s0 =	sld [smem:$0x3FA9]  }
0x30: {  	s3 =	sld [smem:$0x3FAC]  }
0x31: {  	[smem:$0x3FB5] =	sst s10  }
0x32: {  	s10 =	sld [smem:$0x3FB3];
	_ =	sdelay $0x3  }
0x33: {  	p0 =	seq.s32 s10, $0x1;
	s10 =	sld [smem:$0x3FB5];
	_ =	sdelay $0x3  }
0x34: {  	[smem:$0x3FB5] =	sst s10  }
0x35: {  	s10 =	sld [smem:$0x3FB4];
	_ =	sdelay $0x3  }
0x36: {  	p1 =	seq.s32 s10, $0x1;
	s10 =	sld [smem:$0x3FB5];
	_ =	sdelay $0x3  }
0x37: {  	[smem:$0x3FB5] =	sst s10  }
0x38: {  	s10 =	sld [smem:$0x3FB6]  }
0x39: {  	_ = 	snop;
	(pc) =	sbr.ind lr, $3  }
0x3a: {  	_ = 	snop  }
0x3b: {  	_ = 	snop  }
0x3c: {  	p2 =	seq.s32 s10, $0x1;
	s10 =	sld [smem:$0x3FB5]  }
0x3d: {  	_ =	shalt  }
0x3e: {  	_ =	shalt  }
0x3f: {  	_ =	shalt  }
0x40: {  	_ =	shalt  }
0x41: {  	_ =	shalt  }
0x42: {  	_ =	shalt  }
0x43: {  	_ =	shalt  }
0x44: {  	_ =	shalt  }
0x45: {  	_ =	shalt  }
0x46: {  	_ =	shalt  }
0x47: {  	_ =	shalt  }
0x48: {  	_ =	shalt  }
0x49: {  	_ =	shalt  }
0x4a: {  	_ =	shalt  }
0x4b: {  	_ =	shalt  }
0x4c: {  	_ =	shalt  }
0x4d: {  	_ =	shalt  }
0x4e: {  	_ =	shalt  }
0x4f: {  	_ =	shalt  }
0x50: {  	_ =	shalt  }
0x51: {  	_ =	shalt  }
0x52: {  	_ =	shalt  }
0x53: {  	_ =	shalt  }
0x54: {  	_ =	shalt  }
0x55: {  	_ =	shalt  }
0x56: {  	_ =	shalt  }
0x57: {  	_ =	shalt  }
0x58: {  	_ =	shalt  }
0x59: {  	_ =	shalt  }
0x5a: {  	_ =	shalt  }
0x5b: {  	_ =	shalt  }
0x5c: {  	_ =	shalt  }
0x5d: {  	_ =	shalt  }
0x5e: {  	_ =	shalt  }
0x5f: {  	_ =	shalt  }
0x60: {  	_ =	shalt  }
0x61: {  	_ =	shalt  }
0x62: {  	_ =	shalt  }
0x63: {  	_ =	shalt  }
0x64: {  	_ =	shalt  }
0x65: {  	_ =	shalt  }
0x66: {  	_ =	shalt  }
0x67: {  	_ =	shalt  }
0x68: {  	_ =	shalt  }
0x69: {  	_ =	shalt  }
0x6a: {  	_ =	shalt  }
0x6b: {  	_ =	shalt  }
0x6c: {  	_ =	shalt  }
0x6d: {  	_ =	shalt  }
0x6e: {  	_ =	shalt  }
0x6f: {  	_ =	shalt  }
0x70: {  	_ =	shalt  }
0x71: {  	_ =	shalt  }
0x72: {  	_ =	shalt  }
0x73: {  	_ =	shalt  }
0x74: {  	_ =	shalt  }
0x75: {  	_ =	shalt  }
0x76: {  	_ =	shalt  }
0x77: {  	_ =	shalt  }
0x78: {  	_ =	shalt  }
0x79: {  	_ =	shalt  }
0x7a: {  	_ =	shalt  }
0x7b: {  	_ =	shalt  }
0x7c: {  	_ =	shalt  }
0x7d: {  	_ =	shalt  }
0x7e: {  	_ =	shalt  }
0x7f: {  	_ =	shalt  }
0x80: {  	_ =	shalt  }
0x81: {  	_ =	shalt  }
0x82: {  	_ =	shalt  }
0x83: {  	_ =	shalt  }
0x84: {  	_ =	shalt  }
0x85: {  	_ =	shalt  }
0x86: {  	_ =	shalt  }
0x87: {  	_ =	shalt  }
.Lfunc_end0:
.L_simem_size_0:
called_computation_lowered:
.L_overlay_start_0:
0x88: {  	s2 =	sld [smem:$0x3FD9]  }
0x89: {  	s3 =	sld [smem:$0x3FFE];
	_ =	sdelay $0x1  }
0x8a: {  	s1 =	srdreg.scid  }
0x8b: {  	s0 =	sand.u32 $0x1, s1  }
0x8c: {  	s17 =	sshll.u32 s0, $0xA;
	s2 =	sadd.s32 s3, s2  }
0x8d: {  	s2 =	sadd.s32 s2, s17  }
0x8e: {  	[smem:$0x3FC1] =	sst s2  }
0x8f: {  	_ = 	snop  }
0x90: {  	s2 =	sld [smem:$0x3FD0];
	(tm) =	ssettm $0x1  }
0x91: {  	s18 =	sld [smem:$0x3FFB];
	_ =	sdelay $0x3  }
0x92: {  	_ =	strace s18  }
0x93: {  	s3 =	sld [smem:$0x3FFC];
	_ =	sdelay $0x3  }
0x94: {  	_ =	strace s3  }
0x95: {  	s3 =	sld [smem:$0x3FFD];
	_ =	sdelay $0x3  }
0x96: {  	_ =	strace s3  }
0x97: {  	_ =	strace $0x8FFFFFFF  }
0x98: {  	s19 =	sld [smem:$0x3FDB];
	_ =	sdelay $0x1  }
0x99: {  	s4 =	simm.s32 $_scs_section_size  }
0x9a: {  	s5 =	simm.s32 $_size__tile_overlayer_lowered;
	s6 =	simm.s32 $_tile_overlayer_lowered  }
0x9b: {  	s22 =	simm.s32 $0x1BFF;
	s21 =	sshll.u32 s6, $0x1;
	s3 =	sadd.s32 s4, s19  }
0x9c: {  	s7 =	simm.s32 $0x0;
	s20 =	sshll.u32 s5, $0x1;
	s5 =	sadd.s32 s21, s3  }
0x9d: {  	[timem:s7], [sflag:s22] =	dma.local [hbm:s5], s20  }
0x9e: {  	_ =	swait.ge [sflag:s22], s20  }
0x9f: {  	s4 =	ssub.s32 $0x0, s20;
	[sflag:s22] =	ssyncset.done $0x0  }
0xa0: {  	[sflag:s22] =	ssyncadd.s32 s4;
	_ =	sdelay $0x1  }
0xa1: {  	s23 =	simm.s32 $0x1B8B  }
0xa2: {  	_ =	swait.ge [sflag:s23], $0x1  }
0xa3: {  	[sflag:s23] =	ssyncset.done $0x0  }
0xa4: {  	s25 =	simm.s32 $0x1B8E;
	s24 =	sld [smem:$0x3FFE];
	[sflag:s23] =	ssyncadd.s32 $0xFFFFFFFF  }
0xa5: {  	s26 =	simm.s32 $execute0_lowered;
	[smem:$0x3FD2] =	sst s25  }
0xa6: {  	s5 =	sshll.u32 s26, $0x1;
	_ =	strace $0x80000046;
	[dreg:$0x1] =	wrdreg $0xFFFFFFFF  }
0xa7: {  	s28 =	simm.s32 $_size_execute0_lowered;
	s3 =	sadd.s32 s3, s5;
	[dreg:$0x0] =	wrdreg $0x0  }
0xa8: {  	s5 =	sshll.u32 s28, $0x1;
	[dreg:$0x2] =	wrdreg s3  }
0xa9: {  	[dreg:$0x3] =	wrdreg s5  }
0xaa: {  	[dreg:$0x4] =	wrdreg $0xC0  }
0xab: {  	_ =	task [dreg:s7], $0x5FFFF  }
0xac: {  	[dreg:$0x1] =	wrdreg $0xFFFFFFFF  }
0xad: {  	[dreg:$0x0] =	wrdreg $0x60  }
0xae: {  	[dreg:$0x2] =	wrdreg s2  }
0xaf: {  	[dreg:$0x3] =	wrdreg s24  }
0xb0: {  	[dreg:$0x4] =	wrdreg $0x9  }
0xb1: {  	_ =	task.clear_ibuf [dreg:s7], $0x5FFFF;
	_ =	strace $0x90000046  }
0xb2: {  	s29 =	simm.s32 $0x9;
	_ =	strace $0x80000048  }
0xb3: {  	_ =	swait.ge [sflag:s29], $0x1  }
0xb4: {  	[sflag:s29] =	ssyncadd.s32 $0xFFFFFFFF  }
0xb5: {  	_ =	strace $0x90000048  }
0xb6: {  	_ =	sfence  }
0xb7: {  	s30 =	sld [smem:$0x0];
	_ =	sdelay $0x2  }
0xb8: {  	s31 =	sshll.u32 s1, $0xD;
	s1 =	sshrl.u32 s1, $0x2  }
0xb9: {  	s3 =	sand.u32 $0x4000, s31;
	s1 =	sadd.s32 s1, s30  }
0xba: {  	s0 =	sor.u32 s3, s0;
	s1 =	sshll.u32 s1, $0x11  }
0xbb: {  	s0 =	sor.u32 s1, s0  }
0xbc: {  	s0 =	sadd.s32 $0x8F2B, s0  }
0xbd: {  	[sflag:s0] =	ssyncadd.remote.s32 $0x1  }
0xbe: {  	_ =	sfence.sel $0xFFFF  }
0xbf: {  	[dreg:$0x0] =	wrdreg $0xFFFFFFFF;
	(pc) =	sbr.abs _section_cstart, $3  }
0xc0: {  	[dreg:$0x1] =	wrdreg $0xFFFFFFFF  }
0xc1: {  	_ =	task.clear_ibuf [dreg:s7], $0x2FFFF;
	_ =	strace $0x9FFFFFFF  }
0xc2: {  	(tm) =	ssettm $0x7FFFFFFF  }
0xc3: {  	_ =	shalt  }
tec
execute0_lowered:
.L_overlay_start_1:
0x0: {  	(tag) =	ssettag $0x1  }
0x1: {  	s1 =	srdreg.scid;
	s2 =	rddreg [dreg:$0x0]  }
0x2: {  	s0 =	stileid.u32;
	s5 =	rddreg [dreg:$0x1];
	s3 =	simm.s32 $0x0  }
0x3: {  	s8 =	simm.s32 $0x7D;
	s4 =	sand.u32 $0x1, s1;
	s30 =	sshll.u32 s0, $0x1  }
0x4: {  	s9 =	simm.s32 $0x1;
	s10 =	simm.s32 $0x1400;
	s6 =	sor.u32 s4, s30  }
0x5: {  	s11 =	simm.s32 $0x0;
	s1 =	rddreg [dreg:$0x2];
	s7 =	smul.u32 $0x280, s6  }
0x6: {  	[smem:$0x7FF] =	sst s3;
	s4 =	ssub.s32 $0x2, s4;
	s6 =	smul.u32 $0x2710, s6  }
0x7: {  	_ =	strace $0x80000047;
	s31 =	sshrl.u32 s4, $0x1;
	s7 =	sadd.s32 s7, s5  }
0x8: {  	s5 =	sadd.s32 s6, s5;
	s6 =	ssub.s32 s4, s31;
	s4 =	sadd.s32 $0x1800, s7  }
0x9: {  	s5 =	sadd.s32 $0x6800, s5;
	s6 =	smax.u32 s6, $0x1;
	s7 =	simm.s32 $0x2  }
.LBB2_1:
0xa: {  	[tilespmem:s3], [sflag:$0x2] =	stream.linear.gather [hbm4b:s4+s3], $0x1400, $0x38;
	[tilespmem:$0x14C80] =	vst v63  }
0xb: {  	_ =	swait.ge [sflag:s7], $0x1400  }
0xc: {  	[sflag:s7] =	ssyncset.done $0x0  }
0xd: {  	s12 =	simm.s32 $0x1400;
	s13 =	simm.s32 $0x0;
	[sflag:s7] =	ssyncadd.s32 $0xFFFFEC00  }
.LBB2_2:
0xe: {  	p0 =	sne.s32 s13, $0x4E00  }
.Ltmp0:
0xf: {  	_ = 	snop;
	(pc) =	sbr.rel @p0 .LBB2_2-.Ltmp0, $4  }
0x10: {  	_ = 	snop  }
0x11: {  	s14 =	sshra.s32 s13, $0x2  }
0x12: {  	[tilespmem:s12], [sflag:$0x1] =	stream.indirect.gather [hbm4b:s2+s8], $0x10, s14, s8, $0xb8;
	[tilespmem:$0x14C80] =	vst v63  }
0x13: {  	s13 =	sadd.s32 $0x200, s13;
	s12 =	sadd.s32 $0x7D0, s12  }
0x14: {  	_ =	swait.ge [sflag:s9], $0x7D0  }
0x15: {  	s12 =	simm.s32 $0x27;
	[sflag:s9] =	ssyncset.done $0x0  }
.LBB2_4:
0x16: {  	p0 =	sne.s32 s12, $0x1;
	s12 =	sadd.s32 $0xFFFFFFFF, s12;
	[sflag:s9] =	ssyncadd.s32 $0xFFFFF830  }
.Ltmp1:
0x17: {  	(pc) =	sbr.rel @p0 .LBB2_4-.Ltmp1, $3  }
0x18: {  	_ =	sdelay $0x1  }
0x19: {  	_ =	swait.ge [sflag:s9], $0x7D0  }
0x1a: {  	[sflag:s9] =	ssyncset.done $0x0  }
0x1b: {  	s11 =	sadd.s32 $0x1, s11  }
0x1c: {  	p0 =	sne.s32 s11, s6  }
.Ltmp2:
0x1d: {  	[sflag:s9] =	ssyncadd.s32 $0xFFFFF830;
	(pc) =	sbr.rel @p0 .LBB2_1-.Ltmp2, $4  }
0x1e: {  	[hbm4b:s5+s3] =	stream.linear.scatter [tilespmem:s10], [sflag:$0x2], $0x13880, $0x38;
	[tilespmem:$0x14C80] =	vst v63  }
0x1f: {  	_ =	swait.ge [sflag:s7], $0x13880  }
0x20: {  	[sflag:s7] =	ssyncset.done $0x0  }
0x21: {  	[sflag:s7] =	ssyncadd.s32 $0xFFFEC780  }
0x22: {  	_ =	sfence.sel $0x180000  }
0x23: {  	[bflag:$0x0] =	sbarrier.arrive $0xFFFF  }
0x24: {  	p0 =	sne.s32 s0, $0x0;
	_ =	strace $0x90000047  }
0x25: {  	s0 =	sadd.s32 @!p0 $0x100000, s1;
	[bflag:$0x2] =	sbarrier.arrive $0xFFFF  }
0x26: {  	[sflag:s0] =	ssyncadd.tile.s32 @!p0 $0x1;
	_ =	shalt  }
.Lfunc_end2:
_tile_overlayer_lowered:
.L_overlay_start_2:
0x27: {  	(tag) =	ssettag $0x2  }
0x28: {  	s0 =	rddreg [dreg:$0x0];
	s2 =	stileid.u32  }
0x29: {  	s1 =	rddreg [dreg:$0x1];
	p0 =	sne.s32 s2, $0x0  }
0x2a: {  	s3 =	rddreg [dreg:$0x2];
	[bflag:$0x3] =	sbarrier.arrive $0xFFFF;
	s2 =	simm.s32 @!p0 $0x1C02  }
0x2b: {  	[timem:s3], [sflag:s2] =	dma.local @!p0 [hbm:s0], s1  }
0x2c: {  	s0 =	simm.s32 @!p0 $0x2  }
0x2d: {  	_ =	swait.ge @!p0 [sflag:s0], s1  }
0x2e: {  	s1 =	ssub.s32 @!p0 $0x0, s1;
	[sflag:s0] =	ssyncset.done @!p0 $0x0  }
0x2f: {  	[sflag:s0] =	ssyncadd.s32 @!p0 s1  }
0x30: {  	[bflag:$0x3] =	sbarrier.arrive $0xFFFF  }
0x31: {  	_ =	shalt  }

// kernel: kernel.9.cloned.1.call-start
scs
__scs_entry_jumppad:
0x0: {  	(pc) =	sbr.rel $0x88, $3  }
0x1: {  	(tag) =	ssettag $0x0;
	lr =	simm.s32 $0x1  }
0x2: {  	[smem:$0x3F9A] =	sst lr;
	_ =	strace $0xD0000000  }
0x3: {  	_ = 	snop  }
0x4: {  	_ = 	snop  }
0x5: {  	_ = 	snop  }
0x6: {  	_ = 	snop  }
0x7: {  	_ = 	snop  }
__scs_overlays_trampoline_lowered:
0x8: {  	[smem:$0x3FA9] =	sst s0  }
0x9: {  	[smem:$0x3FAA] =	sst s1  }
0xa: {  	[smem:$0x3FAB] =	sst s2  }
0xb: {  	[smem:$0x3FAC] =	sst s3  }
0xc: {  	[smem:$0x3FAD] =	sst s4  }
0xd: {  	[smem:$0x3FAE] =	sst s5  }
0xe: {  	[smem:$0x3FAF] =	sst s6  }
0xf: {  	[smem:$0x3FB0] =	sst s7  }
0x10: {  	[smem:$0x3FB1] =	sst s8  }
0x11: {  	[smem:$0x3FB2] =	sst s9;
	s0 =	simm.s32 @!p0 $0x0  }
0x12: {  	s1 =	sld [smem:$0x3F98];
	s0 =	simm.s32 @p0 $0x1  }
0x13: {  	[smem:$0x3FB3] =	sst s0;
	s0 =	simm.s32 @!p1 $0x0  }
0x14: {  	s2 =	sld [smem:$0x3F97];
	s0 =	simm.s32 @p1 $0x1  }
0x15: {  	[smem:$0x3FB4] =	sst s0;
	s0 =	simm.s32 @!p2 $0x0  }
0x16: {  	s3 =	sld [smem:$0x3FDB];
	s0 =	simm.s32 @p2 $0x1  }
0x17: {  	s4 =	simm.s32 $0x1BF5;
	[smem:$0x3FB6] =	sst s0  }
0x18: {  	s0 =	sld [smem:$0x3F99];
	_ =	swait.ge [sflag:s4], $0x0  }
0x19: {  	s7 =	sld [smem:$0x3F9A]  }
0x1a: {  	s8 =	sadd.s32 $0xFFFFE003, lr  }
0x1b: {  	s9 =	sadd.s32 $0xFFFFFEF7, lr;
	s5 =	simm.s32 $0xFFFFFFFF;
	p2 =	slt.u32 s8, $0xFFFFF086  }
0x1c: {  	p1 =	slt.u32 s9, $0xF7A;
	s5 =	simm.s32 @!p2 $0x0  }
0x1d: {  	s5 =	simm.s32 @p1 $0x1;
	p0 =	seq.s32 s7, s2  }
0x1e: {  	s7 =	smul.u32 @!p0 $0xF7A, s2;
	p2 =	seq.s32 @!p0 s5, $0x0  }
0x1f: {  	s9 =	smul.u32 $0xF7A, s1;
	s8 =	simm.s32 @!p0 $0x1BF5;
	p2 =	por !p2, p0  }
0x20: {  	[sflag:s8] =	ssyncset.s32 @!p0 $0xFFFFF086;
	s6 =	sadd.s32 @!p0 s3, s7;
	s7 =	simm.s32 @!p0 $0x108  }
0x21: {  	s3 =	sadd.s32 s3, s9;
	s6 =	sadd.s32 @!p0 $0x88, s6;
	s7 =	simm.s32 @p2 $0x1082  }
0x22: {  	[simem:s7], [sflag:s8] =	dma.local @!p0 [hbm:s6], $0xF7A  }
0x23: {  	s9 =	sor.u32 $0xD0000000, s2;
	s6 =	simm.s32 $0x108;
	_ =	swait.ge @!p0 [sflag:s8], $0x0  }
0x24: {  	s3 =	sadd.s32 $0x88, s3;
	s6 =	simm.s32 @!p1 $0x1082;
	[sflag:s4] =	ssyncset.s32 $0xFFFFF086  }
0x25: {  	[simem:s6], [sflag:s4] =	dma.local [hbm:s3], $0xF7A  }
0x26: {  	[smem:$0x3F9A] =	sst s1;
	(tag) =	ssettag s2;
	_ =	strace s9  }
0x27: {  	s1 =	sld [smem:$0x3FAA]  }
0x28: {  	s2 =	sld [smem:$0x3FAB]  }
0x29: {  	s4 =	sld [smem:$0x3FAD]  }
0x2a: {  	p0 =	seq.s32 s5, $0x0;
	s5 =	sld [smem:$0x3FAE]  }
0x2b: {  	s6 =	sld [smem:$0x3FAF]  }
0x2c: {  	s7 =	sld [smem:$0x3FB0]  }
0x2d: {  	s3 =	simm.s32 $0x108;
	s8 =	sld [smem:$0x3FB1]  }
0x2e: {  	s3 =	simm.s32 @!p0 $0x1082;
	s9 =	sld [smem:$0x3FB2]  }
0x2f: {  	lr =	sadd.s32 s0, s3;
	s0 =	sld [smem:$0x3FA9]  }
0x30: {  	s3 =	sld [smem:$0x3FAC]  }
0x31: {  	[smem:$0x3FB5] =	sst s10  }
0x32: {  	s10 =	sld [smem:$0x3FB3];
	_ =	sdelay $0x3  }
0x33: {  	p0 =	seq.s32 s10, $0x1;
	s10 =	sld [smem:$0x3FB5];
	_ =	sdelay $0x3  }
0x34: {  	[smem:$0x3FB5] =	sst s10  }
0x35: {  	s10 =	sld [smem:$0x3FB4];
	_ =	sdelay $0x3  }
0x36: {  	p1 =	seq.s32 s10, $0x1;
	s10 =	sld [smem:$0x3FB5];
	_ =	sdelay $0x3  }
0x37: {  	[smem:$0x3FB5] =	sst s10  }
0x38: {  	s10 =	sld [smem:$0x3FB6]  }
0x39: {  	_ = 	snop;
	(pc) =	sbr.ind lr, $3  }
0x3a: {  	_ = 	snop  }
0x3b: {  	_ = 	snop  }
0x3c: {  	p2 =	seq.s32 s10, $0x1;
	s10 =	sld [smem:$0x3FB5]  }
0x3d: {  	_ =	shalt  }
0x3e: {  	_ =	shalt  }
0x3f: {  	_ =	shalt  }
0x40: {  	_ =	shalt  }
0x41: {  	_ =	shalt  }
0x42: {  	_ =	shalt  }
0x43: {  	_ =	shalt  }
0x44: {  	_ =	shalt  }
0x45: {  	_ =	shalt  }
0x46: {  	_ =	shalt  }
0x47: {  	_ =	shalt  }
0x48: {  	_ =	shalt  }
0x49: {  	_ =	shalt  }
0x4a: {  	_ =	shalt  }
0x4b: {  	_ =	shalt  }
0x4c: {  	_ =	shalt  }
0x4d: {  	_ =	shalt  }
0x4e: {  	_ =	shalt  }
0x4f: {  	_ =	shalt  }
0x50: {  	_ =	shalt  }
0x51: {  	_ =	shalt  }
0x52: {  	_ =	shalt  }
0x53: {  	_ =	shalt  }
0x54: {  	_ =	shalt  }
0x55: {  	_ =	shalt  }
0x56: {  	_ =	shalt  }
0x57: {  	_ =	shalt  }
0x58: {  	_ =	shalt  }
0x59: {  	_ =	shalt  }
0x5a: {  	_ =	shalt  }
0x5b: {  	_ =	shalt  }
0x5c: {  	_ =	shalt  }
0x5d: {  	_ =	shalt  }
0x5e: {  	_ =	shalt  }
0x5f: {  	_ =	shalt  }
0x60: {  	_ =	shalt  }
0x61: {  	_ =	shalt  }
0x62: {  	_ =	shalt  }
0x63: {  	_ =	shalt  }
0x64: {  	_ =	shalt  }
0x65: {  	_ =	shalt  }
0x66: {  	_ =	shalt  }
0x67: {  	_ =	shalt  }
0x68: {  	_ =	shalt  }
0x69: {  	_ =	shalt  }
0x6a: {  	_ =	shalt  }
0x6b: {  	_ =	shalt  }
0x6c: {  	_ =	shalt  }
0x6d: {  	_ =	shalt  }
0x6e: {  	_ =	shalt  }
0x6f: {  	_ =	shalt  }
0x70: {  	_ =	shalt  }
0x71: {  	_ =	shalt  }
0x72: {  	_ =	shalt  }
0x73: {  	_ =	shalt  }
0x74: {  	_ =	shalt  }
0x75: {  	_ =	shalt  }
0x76: {  	_ =	shalt  }
0x77: {  	_ =	shalt  }
0x78: {  	_ =	shalt  }
0x79: {  	_ =	shalt  }
0x7a: {  	_ =	shalt  }
0x7b: {  	_ =	shalt  }
0x7c: {  	_ =	shalt  }
0x7d: {  	_ =	shalt  }
0x7e: {  	_ =	shalt  }
0x7f: {  	_ =	shalt  }
0x80: {  	_ =	shalt  }
0x81: {  	_ =	shalt  }
0x82: {  	_ =	shalt  }
0x83: {  	_ =	shalt  }
0x84: {  	_ =	shalt  }
0x85: {  	_ =	shalt  }
0x86: {  	_ =	shalt  }
0x87: {  	_ =	shalt  }
.Lfunc_end0:
.L_simem_size_0:
called_computation.1_lowered:
.L_overlay_start_0:
0x88: {  	s2 =	sld [smem:$0x3FD9]  }
0x89: {  	s3 =	sld [smem:$0x3FFE];
	_ =	sdelay $0x1  }
0x8a: {  	s1 =	srdreg.scid  }
0x8b: {  	s0 =	sand.u32 $0x1, s1  }
0x8c: {  	s16 =	sshll.u32 s0, $0xA;
	s2 =	sadd.s32 s3, s2  }
0x8d: {  	s2 =	sadd.s32 s2, s16  }
0x8e: {  	[smem:$0x3FC1] =	sst s2  }
0x8f: {  	_ = 	snop  }
0x90: {  	(tm) =	ssettm $0x1  }
0x91: {  	s17 =	sld [smem:$0x3FFB];
	_ =	sdelay $0x3  }
0x92: {  	_ =	strace s17  }
0x93: {  	s2 =	sld [smem:$0x3FFC];
	_ =	sdelay $0x3  }
0x94: {  	_ =	strace s2  }
0x95: {  	s2 =	sld [smem:$0x3FFD];
	_ =	sdelay $0x3  }
0x96: {  	_ =	strace s2  }
0x97: {  	_ =	strace $0x8FFFFFFF  }
0x98: {  	s18 =	sld [smem:$0x3FDB];
	_ =	sdelay $0x1  }
0x99: {  	s19 =	simm.s32 $_scs_section_size  }
0x9a: {  	s4 =	simm.s32 $_size__tile_overlayer_lowered;
	s5 =	simm.s32 $_tile_overlayer_lowered  }
0x9b: {  	s22 =	simm.s32 $0x1BFF;
	s21 =	sshll.u32 s5, $0x1;
	s2 =	sadd.s32 s19, s18  }
0x9c: {  	s6 =	simm.s32 $0x0;
	s20 =	sshll.u32 s4, $0x1;
	s4 =	sadd.s32 s21, s2  }
0x9d: {  	[timem:s6], [sflag:s22] =	dma.local [hbm:s4], s20  }
0x9e: {  	_ =	swait.ge [sflag:s22], s20  }
0x9f: {  	s3 =	ssub.s32 $0x0, s20;
	[sflag:s22] =	ssyncset.done $0x0  }
0xa0: {  	[sflag:s22] =	ssyncadd.s32 s3;
	_ =	sdelay $0x1  }
0xa1: {  	s23 =	simm.s32 $0x1B8B  }
0xa2: {  	_ =	swait.ge [sflag:s23], $0x1  }
0xa3: {  	[sflag:s23] =	ssyncset.done $0x0  }
0xa4: {  	s25 =	simm.s32 $0x1B8E;
	s24 =	sld [smem:$0x3FFE];
	[sflag:s23] =	ssyncadd.s32 $0xFFFFFFFF  }
0xa5: {  	s26 =	simm.s32 $execute0_lowered;
	[smem:$0x3FD2] =	sst s25  }
0xa6: {  	s4 =	sshll.u32 s26, $0x1;
	_ =	strace $0x80000049;
	[dreg:$0x1] =	wrdreg $0xFFFFFFFF  }
0xa7: {  	s28 =	simm.s32 $_size_execute0_lowered;
	s2 =	sadd.s32 s2, s4;
	[dreg:$0x0] =	wrdreg $0x0  }
0xa8: {  	s4 =	sshll.u32 s28, $0x1;
	[dreg:$0x2] =	wrdreg s2  }
0xa9: {  	[dreg:$0x3] =	wrdreg s4  }
0xaa: {  	[dreg:$0x4] =	wrdreg $0xC0  }
0xab: {  	_ =	task [dreg:s6], $0x5FFFF  }
0xac: {  	[dreg:$0x1] =	wrdreg $0xFFFFFFFF  }
0xad: {  	[dreg:$0x0] =	wrdreg $0x60  }
0xae: {  	[dreg:$0x2] =	wrdreg s24  }
0xaf: {  	[dreg:$0x3] =	wrdreg $0x173900  }
0xb0: {  	[dreg:$0x4] =	wrdreg $0x9  }
0xb1: {  	_ =	task.clear_ibuf [dreg:s6], $0x5FFFF;
	_ =	strace $0x90000049  }
0xb2: {  	s29 =	simm.s32 $0x9;
	_ =	strace $0x8000004B  }
0xb3: {  	_ =	swait.ge [sflag:s29], $0x1  }
0xb4: {  	[sflag:s29] =	ssyncadd.s32 $0xFFFFFFFF  }
0xb5: {  	_ =	strace $0x9000004B  }
0xb6: {  	_ =	sfence  }
0xb7: {  	s30 =	sld [smem:$0x0];
	_ =	sdelay $0x2  }
0xb8: {  	s31 =	sshll.u32 s1, $0xD;
	s1 =	sshrl.u32 s1, $0x2  }
0xb9: {  	s3 =	sand.u32 $0x4000, s31;
	s1 =	sadd.s32 s1, s30  }
0xba: {  	s0 =	sor.u32 s3, s0;
	s1 =	sshll.u32 s1, $0x11  }
0xbb: {  	s0 =	sor.u32 s1, s0  }
0xbc: {  	s0 =	sadd.s32 $0x8F2B, s0  }
0xbd: {  	[sflag:s0] =	ssyncadd.remote.s32 $0x1  }
0xbe: {  	_ =	sfence.sel $0xFFFF  }
0xbf: {  	[dreg:$0x0] =	wrdreg $0xFFFFFFFF;
	(pc) =	sbr.abs _section_cstart, $3  }
0xc0: {  	[dreg:$0x1] =	wrdreg $0xFFFFFFFF  }
0xc1: {  	_ =	task.clear_ibuf [dreg:s6], $0x2FFFF;
	_ =	strace $0x9FFFFFFF  }
0xc2: {  	(tm) =	ssettm $0x7FFFFFFF  }
0xc3: {  	_ =	shalt  }
tec
execute0_lowered:
.L_overlay_start_1:
0x0: {  	(tag) =	ssettag $0x1  }
0x1: {  	s4 =	rddreg [dreg:$0x0]  }
0x2: {  	s2 =	rddreg [dreg:$0x1]  }
0x3: {  	s0 =	rddreg [dreg:$0x2];
	s3 =	simm.s32 $0x0;
	s5 =	srdreg.scid  }
0x4: {  	s1 =	stileid.u32;
	s11 =	simm.s32 $0x1;
	s12 =	simm.s32 $0x7D  }
0x5: {  	s5 =	sand.u32 $0x1, s5;
	s6 =	sshll.u32 s1, $0x1;
	s7 =	smul.u32 $0x2710, s1  }
0x6: {  	[smem:$0x7FF] =	sst s3;
	s6 =	sor.u32 s5, s6;
	s8 =	smul.u32 $0x27100, s5  }
0x7: {  	s13 =	sshll.u32 s1, $0x6;
	s5 =	ssub.s32 $0x2, s5;
	s9 =	smul.u32 $0x2710, s6  }
0x8: {  	_ =	strace $0x8000004A;
	s6 =	smul.u32 $0x280, s6;
	s10 =	sshrl.u32 s5, $0x1  }
0x9: {  	s13 =	sor.u32 $0x1C02, s13;
	s8 =	sadd.s32 s7, s8;
	s10 =	ssub.s32 s5, s10  }
0xa: {  	s9 =	sadd.s32 s9, s4;
	s8 =	sshrl.u32 s8, $0x3;
	s6 =	sadd.s32 s6, s4  }
0xb: {  	s8 =	sadd.s32 s8, s4;
	s4 =	sadd.s32 s7, s2;
	s5 =	sadd.s32 $0x54A00, s6  }
0xc: {  	s6 =	sadd.s32 $0x1800, s9;
	s9 =	simm.s32 $0x14C80;
	s7 =	sadd.s32 $0x59A00, s8  }
0xd: {  	v0 =	vimm.f32 $0.0e+00;
	s8 =	smax.u32 s10, $0x1;
	s10 =	simm.s32 $0x2;
	s14 =	sshrl.u32 s4, $0x3  }
.LBB2_1:
0xe: {  	s15 =	simm.s32 $0x40;
	s16 =	simm.s32 $0x0  }
.LBB2_2:
0xf: {  	p0 =	sne.s32 s15, $0x9C00;
	[tilespmem:s16+$0x14C80] =	vst v0;
	s16 =	smov.u32 s15;
	s15 =	sadd.s32 $0x40, s15  }
.Ltmp0:
0x10: {  	(pc) =	sbr.rel @p0 .LBB2_2-.Ltmp0, $2  }
0x11: {  	_ =	sdelay $0x2  }
0x12: {  	s16 =	sshra.s32 s16, $0x2  }
0x13: {  	[tilespmem:s16+$0x14C80] =	vst v0  }
0x14: {  	[spmem:s4] =	stream.linear.scatter [tilespmem:s9], [sflag:$0x2], $0x2710, $0x38;
	[tilespmem:$0x19AA0] =	vst v63  }
0x15: {  	_ =	swait.ge [sflag:s10], $0x2710  }
0x16: {  	[sflag:s10] =	ssyncset.done $0x0  }
0x17: {  	s30 =	simm.s32 $0x0;
	[sflag:s10] =	ssyncadd.s32 $0xFFFFD8F0  }
0x18: {  	[tilespmem:s30], [sflag:$0x2] =	stream.linear.gather [hbm4b:s5+s30], $0x1400, $0x38;
	[tilespmem:$0x19AA0] =	vst v63  }
0x19: {  	_ =	swait.ge [sflag:s10], $0x1400  }
0x1a: {  	[sflag:s10] =	ssyncset.done $0x0  }
0x1b: {  	s15 =	simm.s32 $0x1400;
	[sflag:s10] =	ssyncadd.s32 $0xFFFFEC00  }
0x1c: {  	[tilespmem:s15], [sflag:$0x1] =	stream.linear.gather [hbm4b:s6+s30], $0x13880, $0x38;
	[tilespmem:$0x19AA0] =	vst v63  }
0x1d: {  	_ =	swait.ge [sflag:s11], $0x13880  }
0x1e: {  	[sflag:s11] =	ssyncset.done $0x0  }
0x1f: {  	[sflag:s11] =	ssyncadd.s32 $0xFFFEC780  }
0x20: {  	s31 =	simm.s32 $0x0;
	[bflag:$0x0] =	sbarrier.arrive $0xFFFF  }
0x21: {  	[spmem:s2] =	stream.indirect.scatter.add.f32 [tilespmem:s15], [sflag:$0x2], $0x10, s31, s12, $0xb8;
	[tilespmem:$0x19AA0] =	vst v63  }
0x22: {  	_ =	swait.ge [sflag:s10], $0x7D0  }
0x23: {  	s16 =	simm.s32 $0x200;
	[sflag:s10] =	ssyncset.done $0x0  }
.LBB2_4:
0x24: {  	s17 =	sshra.s32 s16, $0x2  }
0x25: {  	[sflag:s10] =	ssyncadd.s32 $0xFFFFF830;
	s15 =	sadd.s32 $0x7D0, s15;
	p0 =	sne.s32 s16, $0x4E00  }
0x26: {  	[spmem:s2] =	stream.indirect.scatter.add.f32 [tilespmem:s15], [sflag:$0x2], $0x10, s17, s12, $0xb8;
	[tilespmem:$0x19AA0] =	vst v63  }
.Ltmp1:
0x27: {  	_ = 	snop;
	(pc) =	sbr.rel @p0 .LBB2_4-.Ltmp1, $4  }
0x28: {  	_ = 	snop  }
0x29: {  	s16 =	sadd.s32 $0x200, s16  }
0x2a: {  	_ =	swait.ge [sflag:s10], $0x7D0  }
0x2b: {  	[sflag:s10] =	ssyncset.done $0x0  }
0x2c: {  	s3 =	sadd.s32 $0x1, s3  }
0x2d: {  	[sflag:s10] =	ssyncadd.s32 $0xFFFFF830;
	p0 =	sne.s32 s3, s8  }
.Ltmp2:
0x2e: {  	[bflag:$0x0] =	sbarrier.arrive $0xFFFF;
	(pc) =	sbr.rel @p0 .LBB2_1-.Ltmp2, $4  }
0x2f: {  	[hbm:s7], [sflag:s13] =	dma.local [spmem:s14], $0x4E2  }
0x30: {  	_ =	swait.ge [sflag:s10], $0x4E2  }
0x31: {  	[sflag:s10] =	ssyncset.done $0x0  }
0x32: {  	[sflag:s10] =	ssyncadd.s32 $0xFFFFFB1E  }
0x33: {  	_ =	sfence.sel $0x180000  }
0x34: {  	[bflag:$0x0] =	sbarrier.arrive $0xFFFF  }
0x35: {  	p0 =	sne.s32 s1, $0x0;
	_ =	strace $0x9000004A  }
0x36: {  	s0 =	sadd.s32 @!p0 $0x100000, s0;
	[bflag:$0x2] =	sbarrier.arrive $0xFFFF  }
0x37: {  	[sflag:s0] =	ssyncadd.tile.s32 @!p0 $0x1;
	_ =	shalt  }
.Lfunc_end2:
_tile_overlayer_lowered:
.L_overlay_start_2:
0x38: {  	(tag) =	ssettag $0x2  }
0x39: {  	s0 =	rddreg [dreg:$0x0];
	s2 =	stileid.u32  }
0x3a: {  	s1 =	rddreg [dreg:$0x1];
	p0 =	sne.s32 s2, $0x0  }
0x3b: {  	s3 =	rddreg [dreg:$0x2];
	[bflag:$0x3] =	sbarrier.arrive $0xFFFF;
	s2 =	simm.s32 @!p0 $0x1C02  }
0x3c: {  	[timem:s3], [sflag:s2] =	dma.local @!p0 [hbm:s0], s1  }
0x3d: {  	s0 =	simm.s32 @!p0 $0x2  }
0x3e: {  	_ =	swait.ge @!p0 [sflag:s0], s1  }
0x3f: {  	s1 =	ssub.s32 @!p0 $0x0, s1;
	[sflag:s0] =	ssyncset.done @!p0 $0x0  }
0x40: {  	[sflag:s0] =	ssyncadd.s32 @!p0 s1  }
0x41: {  	[bflag:$0x3] =	sbarrier.arrive $0xFFFF  }
0x42: {  	_ =	shalt  }

</sc_bundles>
